<compile_context>
chip_gen: v7x
topology: tpu7x:2x2x1
jax: 0.10.2.dev20260603
libtpu: 0.0.44.dev20260713+nightly
codegen_flags: <defaults>
</compile_context>

<pallas_src>
import functools

import jax
import jax.numpy as jnp
from jax import lax
from jax.experimental import pallas as pl
from jax.experimental.pallas import tpu as pltpu
from jax.experimental.pallas import tpu_sc as plsc

NUM_CORES = 1
NUM_SUBCORES = 16
NUM_TILES = NUM_CORES * NUM_SUBCORES
LANES = 16


def _make_hist(nbins: int, per_tile: int):
    mesh = plsc.VectorSubcoreMesh(core_axis_name="c", subcore_axis_name="s",
                                  num_cores=NUM_CORES)

    @functools.partial(
        pl.kernel,
        mesh=mesh,
        out_type=jax.ShapeDtypeStruct((NUM_TILES, nbins), jnp.float32),
        scratch_types=[
            pltpu.VMEM((per_tile,), jnp.int32),
            pltpu.VMEM((nbins,), jnp.float32),
            pltpu.SemaphoreType.DMA,
        ],
        compiler_params=pltpu.CompilerParams(needs_layout_passes=False),
    )
    def hist(idx_hbm, out_hbm, idx_v, counts_v, stage_sem):
        c = lax.axis_index("c")
        s = lax.axis_index("s")
        wid = s * NUM_CORES + c

        stage = pltpu.make_async_copy(
            idx_hbm.at[pl.ds(wid * per_tile, per_tile)], idx_v, stage_sem)
        stage.start()

        zu = 25
        assert nbins % (LANES * zu) == 0

        def zbody(i, carry):
            for u in range(zu):
                counts_v[pl.ds((i * zu + u) * LANES, LANES)] = (
                    jnp.zeros((LANES,), jnp.float32))
            return carry
        lax.fori_loop(0, nbins // (LANES * zu), zbody, 0)

        stage.wait()

        su = 25
        assert per_tile % (LANES * su) == 0

        def body(i, carry):
            idxs = [idx_v[pl.ds((i * su + u) * LANES, LANES)]
                    for u in range(su)]
            for idx16 in idxs:
                plsc.addupdate_scatter(
                    counts_v, [idx16], jnp.ones((LANES,), jnp.float32))
            return carry

        lax.fori_loop(0, per_tile // (LANES * su), body, 0)

        pltpu.sync_copy(counts_v, out_hbm.at[wid])

    return hist


def _matvec_body(scale, p_ref, z_ref, o_ref):
    counts = jnp.sum(p_ref[...], axis=0, keepdims=True) * scale
    o_ref[...] = lax.dot_general(
        counts, z_ref[...], (((1,), (0,)), ((), ())),
        preferred_element_type=jnp.float32,
        precision=lax.Precision.DEFAULT,
    )


def kernel(z, visited_seq):
    nbins, d = z.shape
    n = visited_seq.shape[0]
    assert n % (NUM_TILES * LANES) == 0
    per_tile = n // NUM_TILES

    idx = visited_seq.astype(jnp.int32)
    partials = _make_hist(nbins, per_tile)(idx)

    out = pl.pallas_call(
        functools.partial(_matvec_body, 1.0 / n),
        out_shape=jax.ShapeDtypeStruct((1, d), jnp.float32),
    )(partials, z)
    return out

# --- scband reference (transcript-rebuilt; emitter-appended) ---
"""Pipeline reference for scband-visited-aggregator-47107201302780 (READ-ONLY COPY).

The authoritative reference and input builder live on the scoring server;
editing this copy changes nothing except your own understanding.
"""

import jax, jax.numpy as jnp
import numpy as np


def setup_inputs(seed: int = 0) -> dict:
    key = jax.random.key(seed)
    kz, ki = jax.random.split(key)
    z = jax.random.normal(kz, (10000, 128), dtype=jnp.float32)
    visited_seq = jax.random.randint(ki, (320000,), 0, 10000, dtype=jnp.int64)
    return {"z": z, "visited_seq": visited_seq}


def reference(z, visited_seq):
    # z_c = z[go.visited_seq]; agg = torch.mean(z_c, 0).reshape(1, -1)
    z_c = jnp.take(z, visited_seq, axis=0)
    agg = jnp.mean(z_c, axis=0).reshape(1, -1)
    return agg

if __name__ == "__main__":
    import jax
    _d = setup_inputs()
    print(jax.jit(kernel)(*tuple(_d.values())))

</pallas_src>

<mosaic_0001>
#map = affine_map<(d0, d1) -> (0)>
#map1 = affine_map<(d0, d1) -> (0, 0)>
module attributes {stable_mosaic.version = 14 : i64} {
  func.func @hist(%arg0: i32, %arg1: i32, %arg2: memref<320000xi32, #tpu.memory_space<hbm>>, %arg3: memref<16x10000xf32, #tpu.memory_space<hbm>>, %arg4: memref<20000xi32, #tpu.memory_space<vmem>>, %arg5: memref<10000xf32, #tpu.memory_space<vmem>>, %arg6: memref<!tpu.dma_semaphore, #tpu.memory_space<semaphore_mem>>) attributes {dimension_semantics = [#tpu.dimension_semantics<core_parallel>, #tpu.dimension_semantics<subcore_parallel>], iteration_bounds = array<i64: 1, 16>, scalar_prefetch = 0 : i64, scratch_operands = 3 : i64, tpu.core_type = #tpu.core_type<sc_vector_subcore>, window_params = [{transform_indices = #map}, {transform_indices = #map1}]} {
    %mul3A = arith.constant 1 : i32
    %mul3A_0 = arith.muli %arg1, %mul3A : i32
    %add3A = arith.addi %mul3A_0, %arg0 : i32
    %mul3A_1 = arith.constant 20000 : i32
    %mul3A_2 = arith.muli %add3A, %mul3A_1 : i32
    %dma_start3A = tpu.memref_slice %arg2[%mul3A_2] : memref<320000xi32, #tpu.memory_space<hbm>> -> memref<20000xi32, #tpu.memory_space<hbm>>
    %dma_start3A_3 = tpu.memref_slice %arg2[%mul3A_2] : memref<320000xi32, #tpu.memory_space<hbm>> -> memref<20000xi32, #tpu.memory_space<hbm>>
    tpu.enqueue_dma source(%dma_start3A_3 : memref<20000xi32, #tpu.memory_space<hbm>>) target(%arg4 : memref<20000xi32, #tpu.memory_space<vmem>>) target_semaphore(%arg6 : memref<!tpu.dma_semaphore, #tpu.memory_space<semaphore_mem>>)
    %scan3A = arith.constant 0 : i32
    %scan3A_4 = arith.constant 0 : i32
    %scan3A_5 = arith.constant 25 : i32
    %scan3A_6 = arith.addi %scan3A_4, %scan3A_5 : i32
    %scan3A_7 = arith.constant 1 : i32
    scf.for %scan3A_16 = %scan3A_4 to %scan3A_6 step %scan3A_7  : i32 {
      %broadcast_in_dim3A = arith.constant 0.000000e+00 : f32
      %broadcast_in_dim3A_17 = vector.broadcast %broadcast_in_dim3A : f32 to vector<16xf32>
      %mul3A_18 = arith.constant 25 : i32
      %mul3A_19 = arith.muli %scan3A_16, %mul3A_18 : i32
      %add3A_20 = arith.constant 0 : i32
      %add3A_21 = arith.addi %mul3A_19, %add3A_20 : i32
      %mul3A_22 = arith.constant 16 : i32
      %mul3A_23 = arith.muli %add3A_21, %mul3A_22 : i32
      %swap3A = arith.index_cast %mul3A_23 : i32 to index
      %swap3A_24 = tpu.vector_load %arg5[%swap3A] {strides = array<i32>} : memref<10000xf32, #tpu.memory_space<vmem>>, vector<16xf32>,
      tpu.vector_store %arg5[%swap3A], %broadcast_in_dim3A_17 {strides = array<i32>} : memref<10000xf32, #tpu.memory_space<vmem>>, vector<16xf32>,
      %broadcast_in_dim3A_25 = arith.constant 0.000000e+00 : f32
      %broadcast_in_dim3A_26 = vector.broadcast %broadcast_in_dim3A_25 : f32 to vector<16xf32>
      %mul3A_27 = arith.constant 25 : i32
      %mul3A_28 = arith.muli %scan3A_16, %mul3A_27 : i32
      %add3A_29 = arith.constant 1 : i32
      %add3A_30 = arith.addi %mul3A_28, %add3A_29 : i32
      %mul3A_31 = arith.constant 16 : i32
      %mul3A_32 = arith.muli %add3A_30, %mul3A_31 : i32
      %swap3A_33 = arith.index_cast %mul3A_32 : i32 to index
      %swap3A_34 = tpu.vector_load %arg5[%swap3A_33] {strides = array<i32>} : memref<10000xf32, #tpu.memory_space<vmem>>, vector<16xf32>,
      tpu.vector_store %arg5[%swap3A_33], %broadcast_in_dim3A_26 {strides = array<i32>} : memref<10000xf32, #tpu.memory_space<vmem>>, vector<16xf32>,
      %broadcast_in_dim3A_35 = arith.constant 0.000000e+00 : f32
      %broadcast_in_dim3A_36 = vector.broadcast %broadcast_in_dim3A_35 : f32 to vector<16xf32>
      %mul3A_37 = arith.constant 25 : i32
      %mul3A_38 = arith.muli %scan3A_16, %mul3A_37 : i32
      %add3A_39 = arith.constant 2 : i32
      %add3A_40 = arith.addi %mul3A_38, %add3A_39 : i32
      %mul3A_41 = arith.constant 16 : i32
      %mul3A_42 = arith.muli %add3A_40, %mul3A_41 : i32
      %swap3A_43 = arith.index_cast %mul3A_42 : i32 to index
      %swap3A_44 = tpu.vector_load %arg5[%swap3A_43] {strides = array<i32>} : memref<10000xf32, #tpu.memory_space<vmem>>, vector<16xf32>,
      tpu.vector_store %arg5[%swap3A_43], %broadcast_in_dim3A_36 {strides = array<i32>} : memref<10000xf32, #tpu.memory_space<vmem>>, vector<16xf32>,
      %broadcast_in_dim3A_45 = arith.constant 0.000000e+00 : f32
      %broadcast_in_dim3A_46 = vector.broadcast %broadcast_in_dim3A_45 : f32 to vector<16xf32>
      %mul3A_47 = arith.constant 25 : i32
      %mul3A_48 = arith.muli %scan3A_16, %mul3A_47 : i32
      %add3A_49 = arith.constant 3 : i32
      %add3A_50 = arith.addi %mul3A_48, %add3A_49 : i32
      %mul3A_51 = arith.constant 16 : i32
      %mul3A_52 = arith.muli %add3A_50, %mul3A_51 : i32
      %swap3A_53 = arith.index_cast %mul3A_52 : i32 to index
      %swap3A_54 = tpu.vector_load %arg5[%swap3A_53] {strides = array<i32>} : memref<10000xf32, #tpu.memory_space<vmem>>, vector<16xf32>,
      tpu.vector_store %arg5[%swap3A_53], %broadcast_in_dim3A_46 {strides = array<i32>} : memref<10000xf32, #tpu.memory_space<vmem>>, vector<16xf32>,
      %broadcast_in_dim3A_55 = arith.constant 0.000000e+00 : f32
      %broadcast_in_dim3A_56 = vector.broadcast %broadcast_in_dim3A_55 : f32 to vector<16xf32>
      %mul3A_57 = arith.constant 25 : i32
      %mul3A_58 = arith.muli %scan3A_16, %mul3A_57 : i32
      %add3A_59 = arith.constant 4 : i32
      %add3A_60 = arith.addi %mul3A_58, %add3A_59 : i32
      %mul3A_61 = arith.constant 16 : i32
      %mul3A_62 = arith.muli %add3A_60, %mul3A_61 : i32
      %swap3A_63 = arith.index_cast %mul3A_62 : i32 to index
      %swap3A_64 = tpu.vector_load %arg5[%swap3A_63] {strides = array<i32>} : memref<10000xf32, #tpu.memory_space<vmem>>, vector<16xf32>,
      tpu.vector_store %arg5[%swap3A_63], %broadcast_in_dim3A_56 {strides = array<i32>} : memref<10000xf32, #tpu.memory_space<vmem>>, vector<16xf32>,
      %broadcast_in_dim3A_65 = arith.constant 0.000000e+00 : f32
      %broadcast_in_dim3A_66 = vector.broadcast %broadcast_in_dim3A_65 : f32 to vector<16xf32>
      %mul3A_67 = arith.constant 25 : i32
      %mul3A_68 = arith.muli %scan3A_16, %mul3A_67 : i32
      %add3A_69 = arith.constant 5 : i32
      %add3A_70 = arith.addi %mul3A_68, %add3A_69 : i32
      %mul3A_71 = arith.constant 16 : i32
      %mul3A_72 = arith.muli %add3A_70, %mul3A_71 : i32
      %swap3A_73 = arith.index_cast %mul3A_72 : i32 to index
      %swap3A_74 = tpu.vector_load %arg5[%swap3A_73] {strides = array<i32>} : memref<10000xf32, #tpu.memory_space<vmem>>, vector<16xf32>,
      tpu.vector_store %arg5[%swap3A_73], %broadcast_in_dim3A_66 {strides = array<i32>} : memref<10000xf32, #tpu.memory_space<vmem>>, vector<16xf32>,
      %broadcast_in_dim3A_75 = arith.constant 0.000000e+00 : f32
      %broadcast_in_dim3A_76 = vector.broadcast %broadcast_in_dim3A_75 : f32 to vector<16xf32>
      %mul3A_77 = arith.constant 25 : i32
      %mul3A_78 = arith.muli %scan3A_16, %mul3A_77 : i32
      %add3A_79 = arith.constant 6 : i32
      %add3A_80 = arith.addi %mul3A_78, %add3A_79 : i32
      %mul3A_81 = arith.constant 16 : i32
      %mul3A_82 = arith.muli %add3A_80, %mul3A_81 : i32
      %swap3A_83 = arith.index_cast %mul3A_82 : i32 to index
      %swap3A_84 = tpu.vector_load %arg5[%swap3A_83] {strides = array<i32>} : memref<10000xf32, #tpu.memory_space<vmem>>, vector<16xf32>,
      tpu.vector_store %arg5[%swap3A_83], %broadcast_in_dim3A_76 {strides = array<i32>} : memref<10000xf32, #tpu.memory_space<vmem>>, vector<16xf32>,
      %broadcast_in_dim3A_85 = arith.constant 0.000000e+00 : f32
      %broadcast_in_dim3A_86 = vector.broadcast %broadcast_in_dim3A_85 : f32 to vector<16xf32>
      %mul3A_87 = arith.constant 25 : i32
      %mul3A_88 = arith.muli %scan3A_16, %mul3A_87 : i32
      %add3A_89 = arith.constant 7 : i32
      %add3A_90 = arith.addi %mul3A_88, %add3A_89 : i32
      %mul3A_91 = arith.constant 16 : i32
      %mul3A_92 = arith.muli %add3A_90, %mul3A_91 : i32
      %swap3A_93 = arith.index_cast %mul3A_92 : i32 to index
      %swap3A_94 = tpu.vector_load %arg5[%swap3A_93] {strides = array<i32>} : memref<10000xf32, #tpu.memory_space<vmem>>, vector<16xf32>,
      tpu.vector_store %arg5[%swap3A_93], %broadcast_in_dim3A_86 {strides = array<i32>} : memref<10000xf32, #tpu.memory_space<vmem>>, vector<16xf32>,
      %broadcast_in_dim3A_95 = arith.constant 0.000000e+00 : f32
      %broadcast_in_dim3A_96 = vector.broadcast %broadcast_in_dim3A_95 : f32 to vector<16xf32>
      %mul3A_97 = arith.constant 25 : i32
      %mul3A_98 = arith.muli %scan3A_16, %mul3A_97 : i32
      %add3A_99 = arith.constant 8 : i32
      %add3A_100 = arith.addi %mul3A_98, %add3A_99 : i32
      %mul3A_101 = arith.constant 16 : i32
      %mul3A_102 = arith.muli %add3A_100, %mul3A_101 : i32
      %swap3A_103 = arith.index_cast %mul3A_102 : i32 to index
      %swap3A_104 = tpu.vector_load %arg5[%swap3A_103] {strides = array<i32>} : memref<10000xf32, #tpu.memory_space<vmem>>, vector<16xf32>,
      tpu.vector_store %arg5[%swap3A_103], %broadcast_in_dim3A_96 {strides = array<i32>} : memref<10000xf32, #tpu.memory_space<vmem>>, vector<16xf32>,
      %broadcast_in_dim3A_105 = arith.constant 0.000000e+00 : f32
      %broadcast_in_dim3A_106 = vector.broadcast %broadcast_in_dim3A_105 : f32 to vector<16xf32>
      %mul3A_107 = arith.constant 25 : i32
      %mul3A_108 = arith.muli %scan3A_16, %mul3A_107 : i32
      %add3A_109 = arith.constant 9 : i32
      %add3A_110 = arith.addi %mul3A_108, %add3A_109 : i32
      %mul3A_111 = arith.constant 16 : i32
      %mul3A_112 = arith.muli %add3A_110, %mul3A_111 : i32
      %swap3A_113 = arith.index_cast %mul3A_112 : i32 to index
      %swap3A_114 = tpu.vector_load %arg5[%swap3A_113] {strides = array<i32>} : memref<10000xf32, #tpu.memory_space<vmem>>, vector<16xf32>,
      tpu.vector_store %arg5[%swap3A_113], %broadcast_in_dim3A_106 {strides = array<i32>} : memref<10000xf32, #tpu.memory_space<vmem>>, vector<16xf32>,
      %broadcast_in_dim3A_115 = arith.constant 0.000000e+00 : f32
      %broadcast_in_dim3A_116 = vector.broadcast %broadcast_in_dim3A_115 : f32 to vector<16xf32>
      %mul3A_117 = arith.constant 25 : i32
      %mul3A_118 = arith.muli %scan3A_16, %mul3A_117 : i32
      %add3A_119 = arith.constant 10 : i32
      %add3A_120 = arith.addi %mul3A_118, %add3A_119 : i32
      %mul3A_121 = arith.constant 16 : i32
      %mul3A_122 = arith.muli %add3A_120, %mul3A_121 : i32
      %swap3A_123 = arith.index_cast %mul3A_122 : i32 to index
      %swap3A_124 = tpu.vector_load %arg5[%swap3A_123] {strides = array<i32>} : memref<10000xf32, #tpu.memory_space<vmem>>, vector<16xf32>,
      tpu.vector_store %arg5[%swap3A_123], %broadcast_in_dim3A_116 {strides = array<i32>} : memref<10000xf32, #tpu.memory_space<vmem>>, vector<16xf32>,
      %broadcast_in_dim3A_125 = arith.constant 0.000000e+00 : f32
      %broadcast_in_dim3A_126 = vector.broadcast %broadcast_in_dim3A_125 : f32 to vector<16xf32>
      %mul3A_127 = arith.constant 25 : i32
      %mul3A_128 = arith.muli %scan3A_16, %mul3A_127 : i32
      %add3A_129 = arith.constant 11 : i32
      %add3A_130 = arith.addi %mul3A_128, %add3A_129 : i32
      %mul3A_131 = arith.constant 16 : i32
      %mul3A_132 = arith.muli %add3A_130, %mul3A_131 : i32
      %swap3A_133 = arith.index_cast %mul3A_132 : i32 to index
      %swap3A_134 = tpu.vector_load %arg5[%swap3A_133] {strides = array<i32>} : memref<10000xf32, #tpu.memory_space<vmem>>, vector<16xf32>,
      tpu.vector_store %arg5[%swap3A_133], %broadcast_in_dim3A_126 {strides = array<i32>} : memref<10000xf32, #tpu.memory_space<vmem>>, vector<16xf32>,
      %broadcast_in_dim3A_135 = arith.constant 0.000000e+00 : f32
      %broadcast_in_dim3A_136 = vector.broadcast %broadcast_in_dim3A_135 : f32 to vector<16xf32>
      %mul3A_137 = arith.constant 25 : i32
      %mul3A_138 = arith.muli %scan3A_16, %mul3A_137 : i32
      %add3A_139 = arith.constant 12 : i32
      %add3A_140 = arith.addi %mul3A_138, %add3A_139 : i32
      %mul3A_141 = arith.constant 16 : i32
      %mul3A_142 = arith.muli %add3A_140, %mul3A_141 : i32
      %swap3A_143 = arith.index_cast %mul3A_142 : i32 to index
      %swap3A_144 = tpu.vector_load %arg5[%swap3A_143] {strides = array<i32>} : memref<10000xf32, #tpu.memory_space<vmem>>, vector<16xf32>,
      tpu.vector_store %arg5[%swap3A_143], %broadcast_in_dim3A_136 {strides = array<i32>} : memref<10000xf32, #tpu.memory_space<vmem>>, vector<16xf32>,
      %broadcast_in_dim3A_145 = arith.constant 0.000000e+00 : f32
      %broadcast_in_dim3A_146 = vector.broadcast %broadcast_in_dim3A_145 : f32 to vector<16xf32>
      %mul3A_147 = arith.constant 25 : i32
      %mul3A_148 = arith.muli %scan3A_16, %mul3A_147 : i32
      %add3A_149 = arith.constant 13 : i32
      %add3A_150 = arith.addi %mul3A_148, %add3A_149 : i32
      %mul3A_151 = arith.constant 16 : i32
      %mul3A_152 = arith.muli %add3A_150, %mul3A_151 : i32
      %swap3A_153 = arith.index_cast %mul3A_152 : i32 to index
      %swap3A_154 = tpu.vector_load %arg5[%swap3A_153] {strides = array<i32>} : memref<10000xf32, #tpu.memory_space<vmem>>, vector<16xf32>,
      tpu.vector_store %arg5[%swap3A_153], %broadcast_in_dim3A_146 {strides = array<i32>} : memref<10000xf32, #tpu.memory_space<vmem>>, vector<16xf32>,
      %broadcast_in_dim3A_155 = arith.constant 0.000000e+00 : f32
      %broadcast_in_dim3A_156 = vector.broadcast %broadcast_in_dim3A_155 : f32 to vector<16xf32>
      %mul3A_157 = arith.constant 25 : i32
      %mul3A_158 = arith.muli %scan3A_16, %mul3A_157 : i32
      %add3A_159 = arith.constant 14 : i32
      %add3A_160 = arith.addi %mul3A_158, %add3A_159 : i32
      %mul3A_161 = arith.constant 16 : i32
      %mul3A_162 = arith.muli %add3A_160, %mul3A_161 : i32
      %swap3A_163 = arith.index_cast %mul3A_162 : i32 to index
      %swap3A_164 = tpu.vector_load %arg5[%swap3A_163] {strides = array<i32>} : memref<10000xf32, #tpu.memory_space<vmem>>, vector<16xf32>,
      tpu.vector_store %arg5[%swap3A_163], %broadcast_in_dim3A_156 {strides = array<i32>} : memref<10000xf32, #tpu.memory_space<vmem>>, vector<16xf32>,
      %broadcast_in_dim3A_165 = arith.constant 0.000000e+00 : f32
      %broadcast_in_dim3A_166 = vector.broadcast %broadcast_in_dim3A_165 : f32 to vector<16xf32>
      %mul3A_167 = arith.constant 25 : i32
      %mul3A_168 = arith.muli %scan3A_16, %mul3A_167 : i32
      %add3A_169 = arith.constant 15 : i32
      %add3A_170 = arith.addi %mul3A_168, %add3A_169 : i32
      %mul3A_171 = arith.constant 16 : i32
      %mul3A_172 = arith.muli %add3A_170, %mul3A_171 : i32
      %swap3A_173 = arith.index_cast %mul3A_172 : i32 to index
      %swap3A_174 = tpu.vector_load %arg5[%swap3A_173] {strides = array<i32>} : memref<10000xf32, #tpu.memory_space<vmem>>, vector<16xf32>,
      tpu.vector_store %arg5[%swap3A_173], %broadcast_in_dim3A_166 {strides = array<i32>} : memref<10000xf32, #tpu.memory_space<vmem>>, vector<16xf32>,
      %broadcast_in_dim3A_175 = arith.constant 0.000000e+00 : f32
      %broadcast_in_dim3A_176 = vector.broadcast %broadcast_in_dim3A_175 : f32 to vector<16xf32>
      %mul3A_177 = arith.constant 25 : i32
      %mul3A_178 = arith.muli %scan3A_16, %mul3A_177 : i32
      %add3A_179 = arith.constant 16 : i32
      %add3A_180 = arith.addi %mul3A_178, %add3A_179 : i32
      %mul3A_181 = arith.constant 16 : i32
      %mul3A_182 = arith.muli %add3A_180, %mul3A_181 : i32
      %swap3A_183 = arith.index_cast %mul3A_182 : i32 to index
      %swap3A_184 = tpu.vector_load %arg5[%swap3A_183] {strides = array<i32>} : memref<10000xf32, #tpu.memory_space<vmem>>, vector<16xf32>,
      tpu.vector_store %arg5[%swap3A_183], %broadcast_in_dim3A_176 {strides = array<i32>} : memref<10000xf32, #tpu.memory_space<vmem>>, vector<16xf32>,
      %broadcast_in_dim3A_185 = arith.constant 0.000000e+00 : f32
      %broadcast_in_dim3A_186 = vector.broadcast %broadcast_in_dim3A_185 : f32 to vector<16xf32>
      %mul3A_187 = arith.constant 25 : i32
      %mul3A_188 = arith.muli %scan3A_16, %mul3A_187 : i32
      %add3A_189 = arith.constant 17 : i32
      %add3A_190 = arith.addi %mul3A_188, %add3A_189 : i32
      %mul3A_191 = arith.constant 16 : i32
      %mul3A_192 = arith.muli %add3A_190, %mul3A_191 : i32
      %swap3A_193 = arith.index_cast %mul3A_192 : i32 to index
      %swap3A_194 = tpu.vector_load %arg5[%swap3A_193] {strides = array<i32>} : memref<10000xf32, #tpu.memory_space<vmem>>, vector<16xf32>,
      tpu.vector_store %arg5[%swap3A_193], %broadcast_in_dim3A_186 {strides = array<i32>} : memref<10000xf32, #tpu.memory_space<vmem>>, vector<16xf32>,
      %broadcast_in_dim3A_195 = arith.constant 0.000000e+00 : f32
      %broadcast_in_dim3A_196 = vector.broadcast %broadcast_in_dim3A_195 : f32 to vector<16xf32>
      %mul3A_197 = arith.constant 25 : i32
      %mul3A_198 = arith.muli %scan3A_16, %mul3A_197 : i32
      %add3A_199 = arith.constant 18 : i32
      %add3A_200 = arith.addi %mul3A_198, %add3A_199 : i32
      %mul3A_201 = arith.constant 16 : i32
      %mul3A_202 = arith.muli %add3A_200, %mul3A_201 : i32
      %swap3A_203 = arith.index_cast %mul3A_202 : i32 to index
      %swap3A_204 = tpu.vector_load %arg5[%swap3A_203] {strides = array<i32>} : memref<10000xf32, #tpu.memory_space<vmem>>, vector<16xf32>,
      tpu.vector_store %arg5[%swap3A_203], %broadcast_in_dim3A_196 {strides = array<i32>} : memref<10000xf32, #tpu.memory_space<vmem>>, vector<16xf32>,
      %broadcast_in_dim3A_205 = arith.constant 0.000000e+00 : f32
      %broadcast_in_dim3A_206 = vector.broadcast %broadcast_in_dim3A_205 : f32 to vector<16xf32>
      %mul3A_207 = arith.constant 25 : i32
      %mul3A_208 = arith.muli %scan3A_16, %mul3A_207 : i32
      %add3A_209 = arith.constant 19 : i32
      %add3A_210 = arith.addi %mul3A_208, %add3A_209 : i32
      %mul3A_211 = arith.constant 16 : i32
      %mul3A_212 = arith.muli %add3A_210, %mul3A_211 : i32
      %swap3A_213 = arith.index_cast %mul3A_212 : i32 to index
      %swap3A_214 = tpu.vector_load %arg5[%swap3A_213] {strides = array<i32>} : memref<10000xf32, #tpu.memory_space<vmem>>, vector<16xf32>,
      tpu.vector_store %arg5[%swap3A_213], %broadcast_in_dim3A_206 {strides = array<i32>} : memref<10000xf32, #tpu.memory_space<vmem>>, vector<16xf32>,
      %broadcast_in_dim3A_215 = arith.constant 0.000000e+00 : f32
      %broadcast_in_dim3A_216 = vector.broadcast %broadcast_in_dim3A_215 : f32 to vector<16xf32>
      %mul3A_217 = arith.constant 25 : i32
      %mul3A_218 = arith.muli %scan3A_16, %mul3A_217 : i32
      %add3A_219 = arith.constant 20 : i32
      %add3A_220 = arith.addi %mul3A_218, %add3A_219 : i32
      %mul3A_221 = arith.constant 16 : i32
      %mul3A_222 = arith.muli %add3A_220, %mul3A_221 : i32
      %swap3A_223 = arith.index_cast %mul3A_222 : i32 to index
      %swap3A_224 = tpu.vector_load %arg5[%swap3A_223] {strides = array<i32>} : memref<10000xf32, #tpu.memory_space<vmem>>, vector<16xf32>,
      tpu.vector_store %arg5[%swap3A_223], %broadcast_in_dim3A_216 {strides = array<i32>} : memref<10000xf32, #tpu.memory_space<vmem>>, vector<16xf32>,
      %broadcast_in_dim3A_225 = arith.constant 0.000000e+00 : f32
      %broadcast_in_dim3A_226 = vector.broadcast %broadcast_in_dim3A_225 : f32 to vector<16xf32>
      %mul3A_227 = arith.constant 25 : i32
      %mul3A_228 = arith.muli %scan3A_16, %mul3A_227 : i32
      %add3A_229 = arith.constant 21 : i32
      %add3A_230 = arith.addi %mul3A_228, %add3A_229 : i32
      %mul3A_231 = arith.constant 16 : i32
      %mul3A_232 = arith.muli %add3A_230, %mul3A_231 : i32
      %swap3A_233 = arith.index_cast %mul3A_232 : i32 to index
      %swap3A_234 = tpu.vector_load %arg5[%swap3A_233] {strides = array<i32>} : memref<10000xf32, #tpu.memory_space<vmem>>, vector<16xf32>,
      tpu.vector_store %arg5[%swap3A_233], %broadcast_in_dim3A_226 {strides = array<i32>} : memref<10000xf32, #tpu.memory_space<vmem>>, vector<16xf32>,
      %broadcast_in_dim3A_235 = arith.constant 0.000000e+00 : f32
      %broadcast_in_dim3A_236 = vector.broadcast %broadcast_in_dim3A_235 : f32 to vector<16xf32>
      %mul3A_237 = arith.constant 25 : i32
      %mul3A_238 = arith.muli %scan3A_16, %mul3A_237 : i32
      %add3A_239 = arith.constant 22 : i32
      %add3A_240 = arith.addi %mul3A_238, %add3A_239 : i32
      %mul3A_241 = arith.constant 16 : i32
      %mul3A_242 = arith.muli %add3A_240, %mul3A_241 : i32
      %swap3A_243 = arith.index_cast %mul3A_242 : i32 to index
      %swap3A_244 = tpu.vector_load %arg5[%swap3A_243] {strides = array<i32>} : memref<10000xf32, #tpu.memory_space<vmem>>, vector<16xf32>,
      tpu.vector_store %arg5[%swap3A_243], %broadcast_in_dim3A_236 {strides = array<i32>} : memref<10000xf32, #tpu.memory_space<vmem>>, vector<16xf32>,
      %broadcast_in_dim3A_245 = arith.constant 0.000000e+00 : f32
      %broadcast_in_dim3A_246 = vector.broadcast %broadcast_in_dim3A_245 : f32 to vector<16xf32>
      %mul3A_247 = arith.constant 25 : i32
      %mul3A_248 = arith.muli %scan3A_16, %mul3A_247 : i32
      %add3A_249 = arith.constant 23 : i32
      %add3A_250 = arith.addi %mul3A_248, %add3A_249 : i32
      %mul3A_251 = arith.constant 16 : i32
      %mul3A_252 = arith.muli %add3A_250, %mul3A_251 : i32
      %swap3A_253 = arith.index_cast %mul3A_252 : i32 to index
      %swap3A_254 = tpu.vector_load %arg5[%swap3A_253] {strides = array<i32>} : memref<10000xf32, #tpu.memory_space<vmem>>, vector<16xf32>,
      tpu.vector_store %arg5[%swap3A_253], %broadcast_in_dim3A_246 {strides = array<i32>} : memref<10000xf32, #tpu.memory_space<vmem>>, vector<16xf32>,
      %broadcast_in_dim3A_255 = arith.constant 0.000000e+00 : f32
      %broadcast_in_dim3A_256 = vector.broadcast %broadcast_in_dim3A_255 : f32 to vector<16xf32>
      %mul3A_257 = arith.constant 25 : i32
      %mul3A_258 = arith.muli %scan3A_16, %mul3A_257 : i32
      %add3A_259 = arith.constant 24 : i32
      %add3A_260 = arith.addi %mul3A_258, %add3A_259 : i32
      %mul3A_261 = arith.constant 16 : i32
      %mul3A_262 = arith.muli %add3A_260, %mul3A_261 : i32
      %swap3A_263 = arith.index_cast %mul3A_262 : i32 to index
      %swap3A_264 = tpu.vector_load %arg5[%swap3A_263] {strides = array<i32>} : memref<10000xf32, #tpu.memory_space<vmem>>, vector<16xf32>,
      tpu.vector_store %arg5[%swap3A_263], %broadcast_in_dim3A_256 {strides = array<i32>} : memref<10000xf32, #tpu.memory_space<vmem>>, vector<16xf32>,
    }
    %scan3A_8 = arith.constant 25 : i32
    %dma_wait3A = tpu.memref_slice %arg2[%mul3A_2] : memref<320000xi32, #tpu.memory_space<hbm>> -> memref<20000xi32, #tpu.memory_space<hbm>>
    %dma_wait3A_9 = tpu.memref_slice %arg2[%mul3A_2] : memref<320000xi32, #tpu.memory_space<hbm>> -> memref<20000xi32, #tpu.memory_space<hbm>>
    tpu.wait_dma2 semaphore(%arg6 : memref<!tpu.dma_semaphore, #tpu.memory_space<semaphore_mem>>) src(%dma_wait3A_9 : memref<20000xi32, #tpu.memory_space<hbm>>) dst(%arg4 : memref<20000xi32, #tpu.memory_space<vmem>>)
    %scan3A_10 = arith.constant 0 : i32
    %scan3A_11 = arith.constant 0 : i32
    %scan3A_12 = arith.constant 50 : i32
    %scan3A_13 = arith.addi %scan3A_11, %scan3A_12 : i32
    %scan3A_14 = arith.constant 1 : i32
    scf.for %scan3A_16 = %scan3A_11 to %scan3A_13 step %scan3A_14  : i32 {
      %mul3A_17 = arith.constant 25 : i32
      %mul3A_18 = arith.muli %scan3A_16, %mul3A_17 : i32
      %add3A_19 = arith.constant 0 : i32
      %add3A_20 = arith.addi %mul3A_18, %add3A_19 : i32
      %mul3A_21 = arith.constant 16 : i32
      %mul3A_22 = arith.muli %add3A_20, %mul3A_21 : i32
      %get3A = arith.index_cast %mul3A_22 : i32 to index
      %get3A_23 = tpu.vector_load %arg4[%get3A] {strides = array<i32>} : memref<20000xi32, #tpu.memory_space<vmem>>, vector<16xi32>,
      %mul3A_24 = arith.constant 25 : i32
      %mul3A_25 = arith.muli %scan3A_16, %mul3A_24 : i32
      %add3A_26 = arith.constant 1 : i32
      %add3A_27 = arith.addi %mul3A_25, %add3A_26 : i32
      %mul3A_28 = arith.constant 16 : i32
      %mul3A_29 = arith.muli %add3A_27, %mul3A_28 : i32
      %get3A_30 = arith.index_cast %mul3A_29 : i32 to index
      %get3A_31 = tpu.vector_load %arg4[%get3A_30] {strides = array<i32>} : memref<20000xi32, #tpu.memory_space<vmem>>, vector<16xi32>,
      %mul3A_32 = arith.constant 25 : i32
      %mul3A_33 = arith.muli %scan3A_16, %mul3A_32 : i32
      %add3A_34 = arith.constant 2 : i32
      %add3A_35 = arith.addi %mul3A_33, %add3A_34 : i32
      %mul3A_36 = arith.constant 16 : i32
      %mul3A_37 = arith.muli %add3A_35, %mul3A_36 : i32
      %get3A_38 = arith.index_cast %mul3A_37 : i32 to index
      %get3A_39 = tpu.vector_load %arg4[%get3A_38] {strides = array<i32>} : memref<20000xi32, #tpu.memory_space<vmem>>, vector<16xi32>,
      %mul3A_40 = arith.constant 25 : i32
      %mul3A_41 = arith.muli %scan3A_16, %mul3A_40 : i32
      %add3A_42 = arith.constant 3 : i32
      %add3A_43 = arith.addi %mul3A_41, %add3A_42 : i32
      %mul3A_44 = arith.constant 16 : i32
      %mul3A_45 = arith.muli %add3A_43, %mul3A_44 : i32
      %get3A_46 = arith.index_cast %mul3A_45 : i32 to index
      %get3A_47 = tpu.vector_load %arg4[%get3A_46] {strides = array<i32>} : memref<20000xi32, #tpu.memory_space<vmem>>, vector<16xi32>,
      %mul3A_48 = arith.constant 25 : i32
      %mul3A_49 = arith.muli %scan3A_16, %mul3A_48 : i32
      %add3A_50 = arith.constant 4 : i32
      %add3A_51 = arith.addi %mul3A_49, %add3A_50 : i32
      %mul3A_52 = arith.constant 16 : i32
      %mul3A_53 = arith.muli %add3A_51, %mul3A_52 : i32
      %get3A_54 = arith.index_cast %mul3A_53 : i32 to index
      %get3A_55 = tpu.vector_load %arg4[%get3A_54] {strides = array<i32>} : memref<20000xi32, #tpu.memory_space<vmem>>, vector<16xi32>,
      %mul3A_56 = arith.constant 25 : i32
      %mul3A_57 = arith.muli %scan3A_16, %mul3A_56 : i32
      %add3A_58 = arith.constant 5 : i32
      %add3A_59 = arith.addi %mul3A_57, %add3A_58 : i32
      %mul3A_60 = arith.constant 16 : i32
      %mul3A_61 = arith.muli %add3A_59, %mul3A_60 : i32
      %get3A_62 = arith.index_cast %mul3A_61 : i32 to index
      %get3A_63 = tpu.vector_load %arg4[%get3A_62] {strides = array<i32>} : memref<20000xi32, #tpu.memory_space<vmem>>, vector<16xi32>,
      %mul3A_64 = arith.constant 25 : i32
      %mul3A_65 = arith.muli %scan3A_16, %mul3A_64 : i32
      %add3A_66 = arith.constant 6 : i32
      %add3A_67 = arith.addi %mul3A_65, %add3A_66 : i32
      %mul3A_68 = arith.constant 16 : i32
      %mul3A_69 = arith.muli %add3A_67, %mul3A_68 : i32
      %get3A_70 = arith.index_cast %mul3A_69 : i32 to index
      %get3A_71 = tpu.vector_load %arg4[%get3A_70] {strides = array<i32>} : memref<20000xi32, #tpu.memory_space<vmem>>, vector<16xi32>,
      %mul3A_72 = arith.constant 25 : i32
      %mul3A_73 = arith.muli %scan3A_16, %mul3A_72 : i32
      %add3A_74 = arith.constant 7 : i32
      %add3A_75 = arith.addi %mul3A_73, %add3A_74 : i32
      %mul3A_76 = arith.constant 16 : i32
      %mul3A_77 = arith.muli %add3A_75, %mul3A_76 : i32
      %get3A_78 = arith.index_cast %mul3A_77 : i32 to index
      %get3A_79 = tpu.vector_load %arg4[%get3A_78] {strides = array<i32>} : memref<20000xi32, #tpu.memory_space<vmem>>, vector<16xi32>,
      %mul3A_80 = arith.constant 25 : i32
      %mul3A_81 = arith.muli %scan3A_16, %mul3A_80 : i32
      %add3A_82 = arith.constant 8 : i32
      %add3A_83 = arith.addi %mul3A_81, %add3A_82 : i32
      %mul3A_84 = arith.constant 16 : i32
      %mul3A_85 = arith.muli %add3A_83, %mul3A_84 : i32
      %get3A_86 = arith.index_cast %mul3A_85 : i32 to index
      %get3A_87 = tpu.vector_load %arg4[%get3A_86] {strides = array<i32>} : memref<20000xi32, #tpu.memory_space<vmem>>, vector<16xi32>,
      %mul3A_88 = arith.constant 25 : i32
      %mul3A_89 = arith.muli %scan3A_16, %mul3A_88 : i32
      %add3A_90 = arith.constant 9 : i32
      %add3A_91 = arith.addi %mul3A_89, %add3A_90 : i32
      %mul3A_92 = arith.constant 16 : i32
      %mul3A_93 = arith.muli %add3A_91, %mul3A_92 : i32
      %get3A_94 = arith.index_cast %mul3A_93 : i32 to index
      %get3A_95 = tpu.vector_load %arg4[%get3A_94] {strides = array<i32>} : memref<20000xi32, #tpu.memory_space<vmem>>, vector<16xi32>,
      %mul3A_96 = arith.constant 25 : i32
      %mul3A_97 = arith.muli %scan3A_16, %mul3A_96 : i32
      %add3A_98 = arith.constant 10 : i32
      %add3A_99 = arith.addi %mul3A_97, %add3A_98 : i32
      %mul3A_100 = arith.constant 16 : i32
      %mul3A_101 = arith.muli %add3A_99, %mul3A_100 : i32
      %get3A_102 = arith.index_cast %mul3A_101 : i32 to index
      %get3A_103 = tpu.vector_load %arg4[%get3A_102] {strides = array<i32>} : memref<20000xi32, #tpu.memory_space<vmem>>, vector<16xi32>,
      %mul3A_104 = arith.constant 25 : i32
      %mul3A_105 = arith.muli %scan3A_16, %mul3A_104 : i32
      %add3A_106 = arith.constant 11 : i32
      %add3A_107 = arith.addi %mul3A_105, %add3A_106 : i32
      %mul3A_108 = arith.constant 16 : i32
      %mul3A_109 = arith.muli %add3A_107, %mul3A_108 : i32
      %get3A_110 = arith.index_cast %mul3A_109 : i32 to index
      %get3A_111 = tpu.vector_load %arg4[%get3A_110] {strides = array<i32>} : memref<20000xi32, #tpu.memory_space<vmem>>, vector<16xi32>,
      %mul3A_112 = arith.constant 25 : i32
      %mul3A_113 = arith.muli %scan3A_16, %mul3A_112 : i32
      %add3A_114 = arith.constant 12 : i32
      %add3A_115 = arith.addi %mul3A_113, %add3A_114 : i32
      %mul3A_116 = arith.constant 16 : i32
      %mul3A_117 = arith.muli %add3A_115, %mul3A_116 : i32
      %get3A_118 = arith.index_cast %mul3A_117 : i32 to index
      %get3A_119 = tpu.vector_load %arg4[%get3A_118] {strides = array<i32>} : memref<20000xi32, #tpu.memory_space<vmem>>, vector<16xi32>,
      %mul3A_120 = arith.constant 25 : i32
      %mul3A_121 = arith.muli %scan3A_16, %mul3A_120 : i32
      %add3A_122 = arith.constant 13 : i32
      %add3A_123 = arith.addi %mul3A_121, %add3A_122 : i32
      %mul3A_124 = arith.constant 16 : i32
      %mul3A_125 = arith.muli %add3A_123, %mul3A_124 : i32
      %get3A_126 = arith.index_cast %mul3A_125 : i32 to index
      %get3A_127 = tpu.vector_load %arg4[%get3A_126] {strides = array<i32>} : memref<20000xi32, #tpu.memory_space<vmem>>, vector<16xi32>,
      %mul3A_128 = arith.constant 25 : i32
      %mul3A_129 = arith.muli %scan3A_16, %mul3A_128 : i32
      %add3A_130 = arith.constant 14 : i32
      %add3A_131 = arith.addi %mul3A_129, %add3A_130 : i32
      %mul3A_132 = arith.constant 16 : i32
      %mul3A_133 = arith.muli %add3A_131, %mul3A_132 : i32
      %get3A_134 = arith.index_cast %mul3A_133 : i32 to index
      %get3A_135 = tpu.vector_load %arg4[%get3A_134] {strides = array<i32>} : memref<20000xi32, #tpu.memory_space<vmem>>, vector<16xi32>,
      %mul3A_136 = arith.constant 25 : i32
      %mul3A_137 = arith.muli %scan3A_16, %mul3A_136 : i32
      %add3A_138 = arith.constant 15 : i32
      %add3A_139 = arith.addi %mul3A_137, %add3A_138 : i32
      %mul3A_140 = arith.constant 16 : i32
      %mul3A_141 = arith.muli %add3A_139, %mul3A_140 : i32
      %get3A_142 = arith.index_cast %mul3A_141 : i32 to index
      %get3A_143 = tpu.vector_load %arg4[%get3A_142] {strides = array<i32>} : memref<20000xi32, #tpu.memory_space<vmem>>, vector<16xi32>,
      %mul3A_144 = arith.constant 25 : i32
      %mul3A_145 = arith.muli %scan3A_16, %mul3A_144 : i32
      %add3A_146 = arith.constant 16 : i32
      %add3A_147 = arith.addi %mul3A_145, %add3A_146 : i32
      %mul3A_148 = arith.constant 16 : i32
      %mul3A_149 = arith.muli %add3A_147, %mul3A_148 : i32
      %get3A_150 = arith.index_cast %mul3A_149 : i32 to index
      %get3A_151 = tpu.vector_load %arg4[%get3A_150] {strides = array<i32>} : memref<20000xi32, #tpu.memory_space<vmem>>, vector<16xi32>,
      %mul3A_152 = arith.constant 25 : i32
      %mul3A_153 = arith.muli %scan3A_16, %mul3A_152 : i32
      %add3A_154 = arith.constant 17 : i32
      %add3A_155 = arith.addi %mul3A_153, %add3A_154 : i32
      %mul3A_156 = arith.constant 16 : i32
      %mul3A_157 = arith.muli %add3A_155, %mul3A_156 : i32
      %get3A_158 = arith.index_cast %mul3A_157 : i32 to index
      %get3A_159 = tpu.vector_load %arg4[%get3A_158] {strides = array<i32>} : memref<20000xi32, #tpu.memory_space<vmem>>, vector<16xi32>,
      %mul3A_160 = arith.constant 25 : i32
      %mul3A_161 = arith.muli %scan3A_16, %mul3A_160 : i32
      %add3A_162 = arith.constant 18 : i32
      %add3A_163 = arith.addi %mul3A_161, %add3A_162 : i32
      %mul3A_164 = arith.constant 16 : i32
      %mul3A_165 = arith.muli %add3A_163, %mul3A_164 : i32
      %get3A_166 = arith.index_cast %mul3A_165 : i32 to index
      %get3A_167 = tpu.vector_load %arg4[%get3A_166] {strides = array<i32>} : memref<20000xi32, #tpu.memory_space<vmem>>, vector<16xi32>,
      %mul3A_168 = arith.constant 25 : i32
      %mul3A_169 = arith.muli %scan3A_16, %mul3A_168 : i32
      %add3A_170 = arith.constant 19 : i32
      %add3A_171 = arith.addi %mul3A_169, %add3A_170 : i32
      %mul3A_172 = arith.constant 16 : i32
      %mul3A_173 = arith.muli %add3A_171, %mul3A_172 : i32
      %get3A_174 = arith.index_cast %mul3A_173 : i32 to index
      %get3A_175 = tpu.vector_load %arg4[%get3A_174] {strides = array<i32>} : memref<20000xi32, #tpu.memory_space<vmem>>, vector<16xi32>,
      %mul3A_176 = arith.constant 25 : i32
      %mul3A_177 = arith.muli %scan3A_16, %mul3A_176 : i32
      %add3A_178 = arith.constant 20 : i32
      %add3A_179 = arith.addi %mul3A_177, %add3A_178 : i32
      %mul3A_180 = arith.constant 16 : i32
      %mul3A_181 = arith.muli %add3A_179, %mul3A_180 : i32
      %get3A_182 = arith.index_cast %mul3A_181 : i32 to index
      %get3A_183 = tpu.vector_load %arg4[%get3A_182] {strides = array<i32>} : memref<20000xi32, #tpu.memory_space<vmem>>, vector<16xi32>,
      %mul3A_184 = arith.constant 25 : i32
      %mul3A_185 = arith.muli %scan3A_16, %mul3A_184 : i32
      %add3A_186 = arith.constant 21 : i32
      %add3A_187 = arith.addi %mul3A_185, %add3A_186 : i32
      %mul3A_188 = arith.constant 16 : i32
      %mul3A_189 = arith.muli %add3A_187, %mul3A_188 : i32
      %get3A_190 = arith.index_cast %mul3A_189 : i32 to index
      %get3A_191 = tpu.vector_load %arg4[%get3A_190] {strides = array<i32>} : memref<20000xi32, #tpu.memory_space<vmem>>, vector<16xi32>,
      %mul3A_192 = arith.constant 25 : i32
      %mul3A_193 = arith.muli %scan3A_16, %mul3A_192 : i32
      %add3A_194 = arith.constant 22 : i32
      %add3A_195 = arith.addi %mul3A_193, %add3A_194 : i32
      %mul3A_196 = arith.constant 16 : i32
      %mul3A_197 = arith.muli %add3A_195, %mul3A_196 : i32
      %get3A_198 = arith.index_cast %mul3A_197 : i32 to index
      %get3A_199 = tpu.vector_load %arg4[%get3A_198] {strides = array<i32>} : memref<20000xi32, #tpu.memory_space<vmem>>, vector<16xi32>,
      %mul3A_200 = arith.constant 25 : i32
      %mul3A_201 = arith.muli %scan3A_16, %mul3A_200 : i32
      %add3A_202 = arith.constant 23 : i32
      %add3A_203 = arith.addi %mul3A_201, %add3A_202 : i32
      %mul3A_204 = arith.constant 16 : i32
      %mul3A_205 = arith.muli %add3A_203, %mul3A_204 : i32
      %get3A_206 = arith.index_cast %mul3A_205 : i32 to index
      %get3A_207 = tpu.vector_load %arg4[%get3A_206] {strides = array<i32>} : memref<20000xi32, #tpu.memory_space<vmem>>, vector<16xi32>,
      %mul3A_208 = arith.constant 25 : i32
      %mul3A_209 = arith.muli %scan3A_16, %mul3A_208 : i32
      %add3A_210 = arith.constant 24 : i32
      %add3A_211 = arith.addi %mul3A_209, %add3A_210 : i32
      %mul3A_212 = arith.constant 16 : i32
      %mul3A_213 = arith.muli %add3A_211, %mul3A_212 : i32
      %get3A_214 = arith.index_cast %mul3A_213 : i32 to index
      %get3A_215 = tpu.vector_load %arg4[%get3A_214] {strides = array<i32>} : memref<20000xi32, #tpu.memory_space<vmem>>, vector<16xi32>,
      %broadcast_in_dim3A = arith.constant 1.000000e+00 : f32
      %broadcast_in_dim3A_216 = vector.broadcast %broadcast_in_dim3A : f32 to vector<16xf32>
      tpu.vector_store_idx %arg5[%get3A_23], %broadcast_in_dim3A_216 {add = true} : memref<10000xf32, #tpu.memory_space<vmem>>[vector<16xi32>], vector<16xf32>,
      %broadcast_in_dim3A_217 = arith.constant 1.000000e+00 : f32
      %broadcast_in_dim3A_218 = vector.broadcast %broadcast_in_dim3A_217 : f32 to vector<16xf32>
      tpu.vector_store_idx %arg5[%get3A_31], %broadcast_in_dim3A_218 {add = true} : memref<10000xf32, #tpu.memory_space<vmem>>[vector<16xi32>], vector<16xf32>,
      %broadcast_in_dim3A_219 = arith.constant 1.000000e+00 : f32
      %broadcast_in_dim3A_220 = vector.broadcast %broadcast_in_dim3A_219 : f32 to vector<16xf32>
      tpu.vector_store_idx %arg5[%get3A_39], %broadcast_in_dim3A_220 {add = true} : memref<10000xf32, #tpu.memory_space<vmem>>[vector<16xi32>], vector<16xf32>,
      %broadcast_in_dim3A_221 = arith.constant 1.000000e+00 : f32
      %broadcast_in_dim3A_222 = vector.broadcast %broadcast_in_dim3A_221 : f32 to vector<16xf32>
      tpu.vector_store_idx %arg5[%get3A_47], %broadcast_in_dim3A_222 {add = true} : memref<10000xf32, #tpu.memory_space<vmem>>[vector<16xi32>], vector<16xf32>,
      %broadcast_in_dim3A_223 = arith.constant 1.000000e+00 : f32
      %broadcast_in_dim3A_224 = vector.broadcast %broadcast_in_dim3A_223 : f32 to vector<16xf32>
      tpu.vector_store_idx %arg5[%get3A_55], %broadcast_in_dim3A_224 {add = true} : memref<10000xf32, #tpu.memory_space<vmem>>[vector<16xi32>], vector<16xf32>,
      %broadcast_in_dim3A_225 = arith.constant 1.000000e+00 : f32
      %broadcast_in_dim3A_226 = vector.broadcast %broadcast_in_dim3A_225 : f32 to vector<16xf32>
      tpu.vector_store_idx %arg5[%get3A_63], %broadcast_in_dim3A_226 {add = true} : memref<10000xf32, #tpu.memory_space<vmem>>[vector<16xi32>], vector<16xf32>,
      %broadcast_in_dim3A_227 = arith.constant 1.000000e+00 : f32
      %broadcast_in_dim3A_228 = vector.broadcast %broadcast_in_dim3A_227 : f32 to vector<16xf32>
      tpu.vector_store_idx %arg5[%get3A_71], %broadcast_in_dim3A_228 {add = true} : memref<10000xf32, #tpu.memory_space<vmem>>[vector<16xi32>], vector<16xf32>,
      %broadcast_in_dim3A_229 = arith.constant 1.000000e+00 : f32
      %broadcast_in_dim3A_230 = vector.broadcast %broadcast_in_dim3A_229 : f32 to vector<16xf32>
      tpu.vector_store_idx %arg5[%get3A_79], %broadcast_in_dim3A_230 {add = true} : memref<10000xf32, #tpu.memory_space<vmem>>[vector<16xi32>], vector<16xf32>,
      %broadcast_in_dim3A_231 = arith.constant 1.000000e+00 : f32
      %broadcast_in_dim3A_232 = vector.broadcast %broadcast_in_dim3A_231 : f32 to vector<16xf32>
      tpu.vector_store_idx %arg5[%get3A_87], %broadcast_in_dim3A_232 {add = true} : memref<10000xf32, #tpu.memory_space<vmem>>[vector<16xi32>], vector<16xf32>,
      %broadcast_in_dim3A_233 = arith.constant 1.000000e+00 : f32
      %broadcast_in_dim3A_234 = vector.broadcast %broadcast_in_dim3A_233 : f32 to vector<16xf32>
      tpu.vector_store_idx %arg5[%get3A_95], %broadcast_in_dim3A_234 {add = true} : memref<10000xf32, #tpu.memory_space<vmem>>[vector<16xi32>], vector<16xf32>,
      %broadcast_in_dim3A_235 = arith.constant 1.000000e+00 : f32
      %broadcast_in_dim3A_236 = vector.broadcast %broadcast_in_dim3A_235 : f32 to vector<16xf32>
      tpu.vector_store_idx %arg5[%get3A_103], %broadcast_in_dim3A_236 {add = true} : memref<10000xf32, #tpu.memory_space<vmem>>[vector<16xi32>], vector<16xf32>,
      %broadcast_in_dim3A_237 = arith.constant 1.000000e+00 : f32
      %broadcast_in_dim3A_238 = vector.broadcast %broadcast_in_dim3A_237 : f32 to vector<16xf32>
      tpu.vector_store_idx %arg5[%get3A_111], %broadcast_in_dim3A_238 {add = true} : memref<10000xf32, #tpu.memory_space<vmem>>[vector<16xi32>], vector<16xf32>,
      %broadcast_in_dim3A_239 = arith.constant 1.000000e+00 : f32
      %broadcast_in_dim3A_240 = vector.broadcast %broadcast_in_dim3A_239 : f32 to vector<16xf32>
      tpu.vector_store_idx %arg5[%get3A_119], %broadcast_in_dim3A_240 {add = true} : memref<10000xf32, #tpu.memory_space<vmem>>[vector<16xi32>], vector<16xf32>,
      %broadcast_in_dim3A_241 = arith.constant 1.000000e+00 : f32
      %broadcast_in_dim3A_242 = vector.broadcast %broadcast_in_dim3A_241 : f32 to vector<16xf32>
      tpu.vector_store_idx %arg5[%get3A_127], %broadcast_in_dim3A_242 {add = true} : memref<10000xf32, #tpu.memory_space<vmem>>[vector<16xi32>], vector<16xf32>,
      %broadcast_in_dim3A_243 = arith.constant 1.000000e+00 : f32
      %broadcast_in_dim3A_244 = vector.broadcast %broadcast_in_dim3A_243 : f32 to vector<16xf32>
      tpu.vector_store_idx %arg5[%get3A_135], %broadcast_in_dim3A_244 {add = true} : memref<10000xf32, #tpu.memory_space<vmem>>[vector<16xi32>], vector<16xf32>,
      %broadcast_in_dim3A_245 = arith.constant 1.000000e+00 : f32
      %broadcast_in_dim3A_246 = vector.broadcast %broadcast_in_dim3A_245 : f32 to vector<16xf32>
      tpu.vector_store_idx %arg5[%get3A_143], %broadcast_in_dim3A_246 {add = true} : memref<10000xf32, #tpu.memory_space<vmem>>[vector<16xi32>], vector<16xf32>,
      %broadcast_in_dim3A_247 = arith.constant 1.000000e+00 : f32
      %broadcast_in_dim3A_248 = vector.broadcast %broadcast_in_dim3A_247 : f32 to vector<16xf32>
      tpu.vector_store_idx %arg5[%get3A_151], %broadcast_in_dim3A_248 {add = true} : memref<10000xf32, #tpu.memory_space<vmem>>[vector<16xi32>], vector<16xf32>,
      %broadcast_in_dim3A_249 = arith.constant 1.000000e+00 : f32
      %broadcast_in_dim3A_250 = vector.broadcast %broadcast_in_dim3A_249 : f32 to vector<16xf32>
      tpu.vector_store_idx %arg5[%get3A_159], %broadcast_in_dim3A_250 {add = true} : memref<10000xf32, #tpu.memory_space<vmem>>[vector<16xi32>], vector<16xf32>,
      %broadcast_in_dim3A_251 = arith.constant 1.000000e+00 : f32
      %broadcast_in_dim3A_252 = vector.broadcast %broadcast_in_dim3A_251 : f32 to vector<16xf32>
      tpu.vector_store_idx %arg5[%get3A_167], %broadcast_in_dim3A_252 {add = true} : memref<10000xf32, #tpu.memory_space<vmem>>[vector<16xi32>], vector<16xf32>,
      %broadcast_in_dim3A_253 = arith.constant 1.000000e+00 : f32
      %broadcast_in_dim3A_254 = vector.broadcast %broadcast_in_dim3A_253 : f32 to vector<16xf32>
      tpu.vector_store_idx %arg5[%get3A_175], %broadcast_in_dim3A_254 {add = true} : memref<10000xf32, #tpu.memory_space<vmem>>[vector<16xi32>], vector<16xf32>,
      %broadcast_in_dim3A_255 = arith.constant 1.000000e+00 : f32
      %broadcast_in_dim3A_256 = vector.broadcast %broadcast_in_dim3A_255 : f32 to vector<16xf32>
      tpu.vector_store_idx %arg5[%get3A_183], %broadcast_in_dim3A_256 {add = true} : memref<10000xf32, #tpu.memory_space<vmem>>[vector<16xi32>], vector<16xf32>,
      %broadcast_in_dim3A_257 = arith.constant 1.000000e+00 : f32
      %broadcast_in_dim3A_258 = vector.broadcast %broadcast_in_dim3A_257 : f32 to vector<16xf32>
      tpu.vector_store_idx %arg5[%get3A_191], %broadcast_in_dim3A_258 {add = true} : memref<10000xf32, #tpu.memory_space<vmem>>[vector<16xi32>], vector<16xf32>,
      %broadcast_in_dim3A_259 = arith.constant 1.000000e+00 : f32
      %broadcast_in_dim3A_260 = vector.broadcast %broadcast_in_dim3A_259 : f32 to vector<16xf32>
      tpu.vector_store_idx %arg5[%get3A_199], %broadcast_in_dim3A_260 {add = true} : memref<10000xf32, #tpu.memory_space<vmem>>[vector<16xi32>], vector<16xf32>,
      %broadcast_in_dim3A_261 = arith.constant 1.000000e+00 : f32
      %broadcast_in_dim3A_262 = vector.broadcast %broadcast_in_dim3A_261 : f32 to vector<16xf32>
      tpu.vector_store_idx %arg5[%get3A_207], %broadcast_in_dim3A_262 {add = true} : memref<10000xf32, #tpu.memory_space<vmem>>[vector<16xi32>], vector<16xf32>,
      %broadcast_in_dim3A_263 = arith.constant 1.000000e+00 : f32
      %broadcast_in_dim3A_264 = vector.broadcast %broadcast_in_dim3A_263 : f32 to vector<16xf32>
      tpu.vector_store_idx %arg5[%get3A_215], %broadcast_in_dim3A_264 {add = true} : memref<10000xf32, #tpu.memory_space<vmem>>[vector<16xi32>], vector<16xf32>,
    }
    %scan3A_15 = arith.constant 50 : i32
    "tpu.region"() ({
      %run_scoped3A = tpu.sem_alloc : memref<!tpu.dma_semaphore, #tpu.memory_space<semaphore_mem>>
      %dma_start3A_16 = arith.constant 0 : i32
      %dma_start3A_17 = tpu.memref_slice %arg3[%add3A, %dma_start3A_16] : memref<16x10000xf32, #tpu.memory_space<hbm>> -> memref<1x10000xf32, #tpu.memory_space<hbm>>
      %dma_start3A_18 = tpu.memref_squeeze %dma_start3A_17 : memref<1x10000xf32, #tpu.memory_space<hbm>> -> memref<10000xf32, #tpu.memory_space<hbm>>
      %dma_start3A_19 = arith.constant 0 : i32
      %dma_start3A_20 = tpu.memref_slice %arg3[%add3A, %dma_start3A_19] : memref<16x10000xf32, #tpu.memory_space<hbm>> -> memref<1x10000xf32, #tpu.memory_space<hbm>>
      %dma_start3A_21 = tpu.memref_squeeze %dma_start3A_20 : memref<1x10000xf32, #tpu.memory_space<hbm>> -> memref<10000xf32, #tpu.memory_space<hbm>>
      tpu.enqueue_dma source(%arg5 : memref<10000xf32, #tpu.memory_space<vmem>>) target(%dma_start3A_21 : memref<10000xf32, #tpu.memory_space<hbm>>) target_semaphore(%run_scoped3A : memref<!tpu.dma_semaphore, #tpu.memory_space<semaphore_mem>>)
      %dma_wait3A_22 = arith.constant 0 : i32
      %dma_wait3A_23 = tpu.memref_slice %arg3[%add3A, %dma_wait3A_22] : memref<16x10000xf32, #tpu.memory_space<hbm>> -> memref<1x10000xf32, #tpu.memory_space<hbm>>
      %dma_wait3A_24 = tpu.memref_squeeze %dma_wait3A_23 : memref<1x10000xf32, #tpu.memory_space<hbm>> -> memref<10000xf32, #tpu.memory_space<hbm>>
      %dma_wait3A_25 = arith.constant 0 : i32
      %dma_wait3A_26 = tpu.memref_slice %arg3[%add3A, %dma_wait3A_25] : memref<16x10000xf32, #tpu.memory_space<hbm>> -> memref<1x10000xf32, #tpu.memory_space<hbm>>
      %dma_wait3A_27 = tpu.memref_squeeze %dma_wait3A_26 : memref<1x10000xf32, #tpu.memory_space<hbm>> -> memref<10000xf32, #tpu.memory_space<hbm>>
      tpu.wait_dma2 semaphore(%run_scoped3A : memref<!tpu.dma_semaphore, #tpu.memory_space<semaphore_mem>>) src(%arg5 : memref<10000xf32, #tpu.memory_space<vmem>>) dst(%dma_wait3A_27 : memref<10000xf32, #tpu.memory_space<hbm>>)
      tpu.yield
    }) : () -> ()
    return
  }
}

module attributes {stable_mosaic.version = 14 : i64} {
  func.func @_matvec_body(%arg0: memref<16x10000xf32, #tpu.memory_space<vmem>>, %arg1: memref<10000x128xf32, #tpu.memory_space<vmem>>, %arg2: memref<1x128xf32, #tpu.memory_space<vmem>>) attributes {dimension_semantics = [], scalar_prefetch = 0 : i64, scratch_operands = 0 : i64, tpu.core_type = #tpu.core_type<tc>} {
    %get3A = arith.constant 0 : index
    %get3A_0 = arith.constant 0 : index
    %get3A_1 = vector.load %arg0[%get3A, %get3A_0] : memref<16x10000xf32, #tpu.memory_space<vmem>>, vector<16x10000xf32>
    %reduce_sum3A = arith.constant dense<0.000000e+00> : vector<10000xf32>
    %reduce_sum3A_2 = vector.multi_reduction <add>, %get3A_1, %reduce_sum3A [0] : vector<16x10000xf32> to vector<10000xf32>
    %broadcast_in_dim3A = vector.shape_cast %reduce_sum3A_2 : vector<10000xf32> to vector<1x10000xf32>
    %mul3A = arith.constant 3.125000e-06 : f32
    %mul3A_3 = vector.broadcast %mul3A : f32 to vector<1x10000xf32>
    %mul3A_4 = arith.mulf %broadcast_in_dim3A, %mul3A_3 : vector<1x10000xf32>
    %get3A_5 = arith.constant 0 : index
    %get3A_6 = arith.constant 0 : index
    %get3A_7 = vector.load %arg1[%get3A_5, %get3A_6] : memref<10000x128xf32, #tpu.memory_space<vmem>>, vector<10000x128xf32>
    %dot_general3A = arith.constant dense<0.000000e+00> : vector<1x128xf32>
    %dot_general3A_8 = tpu.matmul %mul3A_4, %get3A_7, %dot_general3A {dimension_numbers = #tpu.dot_dimension_numbers<[1], [0], [0], [1], [0, 0, 1, 1], [], []>, transpose_lhs_hint = false} : vector<1x10000xf32>, vector<10000x128xf32>, vector<1x128xf32> -> vector<1x128xf32>
    %swap3A = arith.constant 0 : index
    %swap3A_9 = arith.constant 0 : index
    %swap3A_10 = vector.load %arg2[%swap3A, %swap3A_9] : memref<1x128xf32, #tpu.memory_space<vmem>>, vector<1x128xf32>
    tpu.vector_store %arg2[%swap3A, %swap3A_9], %dot_general3A_8 {strides = array<i32>} : memref<1x128xf32, #tpu.memory_space<vmem>>, vector<1x128xf32>,
    return
  }
}

</mosaic_0001>

<sc_bundles>
// kernel: kernel.4.cloned.1.call-start
scs
__scs_entry_jumppad:
0x0: {  	(pc) =	sbr.rel $0x88, $3  }
0x1: {  	(tag) =	ssettag $0x0;
	lr =	simm.s32 $0x1  }
0x2: {  	[smem:$0x3F9F] =	sst lr;
	_ =	strace $0xD0000000  }
0x3: {  	_ = 	snop  }
0x4: {  	_ = 	snop  }
0x5: {  	_ = 	snop  }
0x6: {  	_ = 	snop  }
0x7: {  	_ = 	snop  }
__scs_overlays_trampoline_lowered:
0x8: {  	[smem:$0x3FAE] =	sst s0  }
0x9: {  	[smem:$0x3FAF] =	sst s1  }
0xa: {  	[smem:$0x3FB0] =	sst s2  }
0xb: {  	[smem:$0x3FB1] =	sst s3  }
0xc: {  	[smem:$0x3FB2] =	sst s4  }
0xd: {  	[smem:$0x3FB3] =	sst s5  }
0xe: {  	[smem:$0x3FB4] =	sst s6  }
0xf: {  	[smem:$0x3FB5] =	sst s7  }
0x10: {  	[smem:$0x3FB6] =	sst s8  }
0x11: {  	[smem:$0x3FB7] =	sst s9;
	s0 =	simm.s32 @!p0 $0x0  }
0x12: {  	s1 =	sld [smem:$0x3F9D];
	s0 =	simm.s32 @p0 $0x1  }
0x13: {  	[smem:$0x3FB8] =	sst s0;
	s0 =	simm.s32 @!p1 $0x0  }
0x14: {  	s2 =	sld [smem:$0x3F9C];
	s0 =	simm.s32 @p1 $0x1  }
0x15: {  	[smem:$0x3FB9] =	sst s0;
	s0 =	simm.s32 @!p2 $0x0  }
0x16: {  	s3 =	sld [smem:$0x3FDB];
	s0 =	simm.s32 @p2 $0x1  }
0x17: {  	s4 =	simm.s32 $0x1BF5;
	[smem:$0x3FBB] =	sst s0  }
0x18: {  	s0 =	sld [smem:$0x3F9E];
	_ =	swait.ge [sflag:s4], $0x0  }
0x19: {  	s7 =	sld [smem:$0x3F9F]  }
0x1a: {  	s8 =	sadd.s32 $0xFFFFE003, lr  }
0x1b: {  	s9 =	sadd.s32 $0xFFFFFEF7, lr;
	s5 =	simm.s32 $0xFFFFFFFF;
	p2 =	slt.u32 s8, $0xFFFFF086  }
0x1c: {  	p1 =	slt.u32 s9, $0xF7A;
	s5 =	simm.s32 @!p2 $0x0  }
0x1d: {  	s5 =	simm.s32 @p1 $0x1;
	p0 =	seq.s32 s7, s2  }
0x1e: {  	s7 =	smul.u32 @!p0 $0xF7A, s2;
	p2 =	seq.s32 @!p0 s5, $0x0  }
0x1f: {  	s9 =	smul.u32 $0xF7A, s1;
	s8 =	simm.s32 @!p0 $0x1BF5;
	p2 =	por !p2, p0  }
0x20: {  	[sflag:s8] =	ssyncset.s32 @!p0 $0xFFFFF086;
	s6 =	sadd.s32 @!p0 s3, s7;
	s7 =	simm.s32 @!p0 $0x108  }
0x21: {  	s3 =	sadd.s32 s3, s9;
	s6 =	sadd.s32 @!p0 $0x88, s6;
	s7 =	simm.s32 @p2 $0x1082  }
0x22: {  	[simem:s7], [sflag:s8] =	dma.local @!p0 [hbm:s6], $0xF7A  }
0x23: {  	s9 =	sor.u32 $0xD0000000, s2;
	s6 =	simm.s32 $0x108;
	_ =	swait.ge @!p0 [sflag:s8], $0x0  }
0x24: {  	s3 =	sadd.s32 $0x88, s3;
	s6 =	simm.s32 @!p1 $0x1082;
	[sflag:s4] =	ssyncset.s32 $0xFFFFF086  }
0x25: {  	[simem:s6], [sflag:s4] =	dma.local [hbm:s3], $0xF7A  }
0x26: {  	[smem:$0x3F9F] =	sst s1;
	(tag) =	ssettag s2;
	_ =	strace s9  }
0x27: {  	s1 =	sld [smem:$0x3FAF]  }
0x28: {  	s2 =	sld [smem:$0x3FB0]  }
0x29: {  	s4 =	sld [smem:$0x3FB2]  }
0x2a: {  	p0 =	seq.s32 s5, $0x0;
	s5 =	sld [smem:$0x3FB3]  }
0x2b: {  	s6 =	sld [smem:$0x3FB4]  }
0x2c: {  	s7 =	sld [smem:$0x3FB5]  }
0x2d: {  	s3 =	simm.s32 $0x108;
	s8 =	sld [smem:$0x3FB6]  }
0x2e: {  	s3 =	simm.s32 @!p0 $0x1082;
	s9 =	sld [smem:$0x3FB7]  }
0x2f: {  	lr =	sadd.s32 s0, s3;
	s0 =	sld [smem:$0x3FAE]  }
0x30: {  	s3 =	sld [smem:$0x3FB1]  }
0x31: {  	[smem:$0x3FBA] =	sst s10  }
0x32: {  	s10 =	sld [smem:$0x3FB8];
	_ =	sdelay $0x3  }
0x33: {  	p0 =	seq.s32 s10, $0x1;
	s10 =	sld [smem:$0x3FBA];
	_ =	sdelay $0x3  }
0x34: {  	[smem:$0x3FBA] =	sst s10  }
0x35: {  	s10 =	sld [smem:$0x3FB9];
	_ =	sdelay $0x3  }
0x36: {  	p1 =	seq.s32 s10, $0x1;
	s10 =	sld [smem:$0x3FBA];
	_ =	sdelay $0x3  }
0x37: {  	[smem:$0x3FBA] =	sst s10  }
0x38: {  	s10 =	sld [smem:$0x3FBB]  }
0x39: {  	_ = 	snop;
	(pc) =	sbr.ind lr, $3  }
0x3a: {  	_ = 	snop  }
0x3b: {  	_ = 	snop  }
0x3c: {  	p2 =	seq.s32 s10, $0x1;
	s10 =	sld [smem:$0x3FBA]  }
0x3d: {  	_ =	shalt  }
0x3e: {  	_ =	shalt  }
0x3f: {  	_ =	shalt  }
0x40: {  	_ =	shalt  }
0x41: {  	_ =	shalt  }
0x42: {  	_ =	shalt  }
0x43: {  	_ =	shalt  }
0x44: {  	_ =	shalt  }
0x45: {  	_ =	shalt  }
0x46: {  	_ =	shalt  }
0x47: {  	_ =	shalt  }
0x48: {  	_ =	shalt  }
0x49: {  	_ =	shalt  }
0x4a: {  	_ =	shalt  }
0x4b: {  	_ =	shalt  }
0x4c: {  	_ =	shalt  }
0x4d: {  	_ =	shalt  }
0x4e: {  	_ =	shalt  }
0x4f: {  	_ =	shalt  }
0x50: {  	_ =	shalt  }
0x51: {  	_ =	shalt  }
0x52: {  	_ =	shalt  }
0x53: {  	_ =	shalt  }
0x54: {  	_ =	shalt  }
0x55: {  	_ =	shalt  }
0x56: {  	_ =	shalt  }
0x57: {  	_ =	shalt  }
0x58: {  	_ =	shalt  }
0x59: {  	_ =	shalt  }
0x5a: {  	_ =	shalt  }
0x5b: {  	_ =	shalt  }
0x5c: {  	_ =	shalt  }
0x5d: {  	_ =	shalt  }
0x5e: {  	_ =	shalt  }
0x5f: {  	_ =	shalt  }
0x60: {  	_ =	shalt  }
0x61: {  	_ =	shalt  }
0x62: {  	_ =	shalt  }
0x63: {  	_ =	shalt  }
0x64: {  	_ =	shalt  }
0x65: {  	_ =	shalt  }
0x66: {  	_ =	shalt  }
0x67: {  	_ =	shalt  }
0x68: {  	_ =	shalt  }
0x69: {  	_ =	shalt  }
0x6a: {  	_ =	shalt  }
0x6b: {  	_ =	shalt  }
0x6c: {  	_ =	shalt  }
0x6d: {  	_ =	shalt  }
0x6e: {  	_ =	shalt  }
0x6f: {  	_ =	shalt  }
0x70: {  	_ =	shalt  }
0x71: {  	_ =	shalt  }
0x72: {  	_ =	shalt  }
0x73: {  	_ =	shalt  }
0x74: {  	_ =	shalt  }
0x75: {  	_ =	shalt  }
0x76: {  	_ =	shalt  }
0x77: {  	_ =	shalt  }
0x78: {  	_ =	shalt  }
0x79: {  	_ =	shalt  }
0x7a: {  	_ =	shalt  }
0x7b: {  	_ =	shalt  }
0x7c: {  	_ =	shalt  }
0x7d: {  	_ =	shalt  }
0x7e: {  	_ =	shalt  }
0x7f: {  	_ =	shalt  }
0x80: {  	_ =	shalt  }
0x81: {  	_ =	shalt  }
0x82: {  	_ =	shalt  }
0x83: {  	_ =	shalt  }
0x84: {  	_ =	shalt  }
0x85: {  	_ =	shalt  }
0x86: {  	_ =	shalt  }
0x87: {  	_ =	shalt  }
.Lfunc_end0:
.L_simem_size_0:
called_computation_lowered:
.L_overlay_start_0:
0x88: {  	s0 =	sld [smem:$0x3FD9]  }
0x89: {  	s1 =	sld [smem:$0x3FFE];
	_ =	sdelay $0x3  }
0x8a: {  	s0 =	sadd.s32 s1, s0  }
0x8b: {  	[smem:$0x3FC6] =	sst s0  }
0x8c: {  	_ = 	snop  }
0x8d: {  	s0 =	sld [smem:$0x3FC8];
	(tm) =	ssettm $0x1  }
0x8e: {  	s16 =	sld [smem:$0x3FFB];
	_ =	sdelay $0x3  }
0x8f: {  	_ =	strace s16  }
0x90: {  	s1 =	sld [smem:$0x3FFC];
	_ =	sdelay $0x3  }
0x91: {  	_ =	strace s1  }
0x92: {  	s1 =	sld [smem:$0x3FFD];
	_ =	sdelay $0x3  }
0x93: {  	_ =	strace s1  }
0x94: {  	_ =	strace $0x8FFFFFFF  }
0x95: {  	s17 =	sld [smem:$0x3FDB];
	_ =	sdelay $0x1  }
0x96: {  	s2 =	simm.s32 $_scs_section_size  }
0x97: {  	s3 =	simm.s32 $_size__tile_overlayer_lowered;
	s4 =	simm.s32 $_tile_overlayer_lowered  }
0x98: {  	s20 =	simm.s32 $0x1BFF;
	s19 =	sshll.u32 s4, $0x1;
	s1 =	sadd.s32 s2, s17  }
0x99: {  	s5 =	simm.s32 $0x0;
	s18 =	sshll.u32 s3, $0x1;
	s3 =	sadd.s32 s19, s1  }
0x9a: {  	[timem:s5], [sflag:s20] =	dma.local [hbm:s3], s18  }
0x9b: {  	_ =	swait.ge [sflag:s20], s18  }
0x9c: {  	s2 =	ssub.s32 $0x0, s18;
	[sflag:s20] =	ssyncset.done $0x0  }
0x9d: {  	[sflag:s20] =	ssyncadd.s32 s2;
	_ =	sdelay $0x1  }
0x9e: {  	s21 =	simm.s32 $0x1B8B  }
0x9f: {  	_ =	swait.ge [sflag:s21], $0x1  }
0xa0: {  	[sflag:s21] =	ssyncset.done $0x0  }
0xa1: {  	s23 =	simm.s32 $0x1B8E;
	s22 =	sld [smem:$0x3FFE];
	[sflag:s21] =	ssyncadd.s32 $0xFFFFFFFF  }
0xa2: {  	s24 =	simm.s32 $execute0_lowered;
	[smem:$0x3FD2] =	sst s23  }
0xa3: {  	s3 =	sshll.u32 s24, $0x1;
	_ =	strace $0x80000046;
	[dreg:$0x1] =	wrdreg $0xFFFFFFFF  }
0xa4: {  	s25 =	simm.s32 $_size_execute0_lowered;
	s1 =	sadd.s32 s1, s3;
	[dreg:$0x0] =	wrdreg $0x0  }
0xa5: {  	s3 =	sshll.u32 s25, $0x1;
	[dreg:$0x2] =	wrdreg s1  }
0xa6: {  	[dreg:$0x3] =	wrdreg s3  }
0xa7: {  	[dreg:$0x4] =	wrdreg $0xC0  }
0xa8: {  	_ =	task [dreg:s5], $0x5FFFF  }
0xa9: {  	[dreg:$0x1] =	wrdreg $0xFFFFFFFF  }
0xaa: {  	[dreg:$0x0] =	wrdreg $0x60  }
0xab: {  	[dreg:$0x2] =	wrdreg s0  }
0xac: {  	[dreg:$0x3] =	wrdreg s22  }
0xad: {  	[dreg:$0x4] =	wrdreg $0x9  }
0xae: {  	_ =	task.clear_ibuf [dreg:s5], $0x5FFFF;
	_ =	strace $0x90000046  }
0xaf: {  	s26 =	simm.s32 $0x9;
	_ =	strace $0x80000048  }
0xb0: {  	_ =	swait.ge [sflag:s26], $0x1  }
0xb1: {  	[sflag:s26] =	ssyncadd.s32 $0xFFFFFFFF  }
0xb2: {  	_ =	strace $0x90000048  }
0xb3: {  	_ =	sfence  }
0xb4: {  	s28 =	sld [smem:$0x0];
	_ =	sdelay $0x1  }
0xb5: {  	s29 =	srdreg.scid  }
0xb6: {  	s30 =	sshll.u32 s29, $0xD;
	s31 =	sshrl.u32 s29, $0x2  }
0xb7: {  	s2 =	sand.u32 $0x4000, s30;
	s1 =	sand.u32 $0x1, s29;
	s0 =	sadd.s32 s31, s28  }
0xb8: {  	s1 =	sor.u32 s2, s1;
	s0 =	sshll.u32 s0, $0x11  }
0xb9: {  	s0 =	sor.u32 s0, s1  }
0xba: {  	s0 =	sadd.s32 $0x8F2B, s0  }
0xbb: {  	[sflag:s0] =	ssyncadd.remote.s32 $0x1  }
0xbc: {  	_ =	sfence.sel $0xFFFF  }
0xbd: {  	[dreg:$0x0] =	wrdreg $0xFFFFFFFF;
	(pc) =	sbr.abs _section_cstart, $3  }
0xbe: {  	[dreg:$0x1] =	wrdreg $0xFFFFFFFF  }
0xbf: {  	_ =	task.clear_ibuf [dreg:s5], $0x2FFFF;
	_ =	strace $0x9FFFFFFF  }
0xc0: {  	(tm) =	ssettm $0x7FFFFFFF  }
0xc1: {  	_ =	shalt  }
tec
execute0_lowered:
.L_overlay_start_1:
0x0: {  	(tag) =	ssettag $0x1  }
0x1: {  	s2 =	rddreg [dreg:$0x0]  }
0x2: {  	s5 =	rddreg [dreg:$0x1];
	s1 =	stileid.u32  }
0x3: {  	s0 =	rddreg [dreg:$0x2];
	s4 =	simm.s32 $0x0;
	s3 =	smul.u32 $0x9C4, s1  }
0x4: {  	[smem:$0x7FF] =	sst s4  }
0x5: {  	_ =	strace $0x80000047;
	s2 =	sadd.s32 s2, s3;
	s3 =	simm.s32 $0x4F40  }
0x6: {  	v0 =	vimm.f32 $0.0e+00;
	[tilespmem:s4], [sflag:$0x1] =	stream.linear.gather [hbm4b:s2+s4], $0x4E20, $0x38;
	[tilespmem:$0x7600] =	vst v63  }
0x7: {  	[tilespmem:s3+$0xFFFFFF40] =	vst v0  }
0x8: {  	[tilespmem:s3+$0xFFFFFFB0] =	vst v0  }
0x9: {  	[tilespmem:s3+$0xFFFFFFA0] =	vst v0  }
0xa: {  	[tilespmem:s3+$0xFFFFFF90] =	vst v0  }
0xb: {  	[tilespmem:s3+$0xFFFFFF80] =	vst v0  }
0xc: {  	[tilespmem:s3+$0xFFFFFF70] =	vst v0  }
0xd: {  	[tilespmem:s3+$0xFFFFFF60] =	vst v0  }
0xe: {  	s4 =	sand.u32 $0x3FF0, s4;
	[tilespmem:s3+$0xFFFFFF50] =	vst v0  }
0xf: {  	[tilespmem:s4+$0x4F00] =	vst v0  }
0x10: {  	[tilespmem:s3+$0x30] =	vst v0  }
0x11: {  	[tilespmem:s3+$0x20] =	vst v0  }
0x12: {  	s6 =	simm.s32 $0x4F40;
	s2 =	sadd.s32 $0x800, s5;
	s5 =	simm.s32 $0x190;
	[tilespmem:s3+$0x10] =	vst v0  }
.LBB2_1:
0x13: {  	p0 =	sne.s32 s5, $0x2580  }
0x14: {  	[tilespmem:s3+$0x0] =	vst v0;
	s6 =	sadd.s32 $0x190, s6;
	s7 =	smov.u32 s5;
	s5 =	sadd.s32 $0x190, s5  }
0x15: {  	[tilespmem:s3+$0xFFFFFFF0] =	vst v0  }
0x16: {  	[tilespmem:s3+$0xFFFFFFD0] =	vst v0  }
0x17: {  	[tilespmem:s3+$0xFFFFFFE0] =	vst v0  }
0x18: {  	[tilespmem:s4+$0x4F80] =	vst v0  }
0x19: {  	[tilespmem:s3+$0x50] =	vst v0  }
0x1a: {  	[tilespmem:s3+$0xB0] =	vst v0  }
0x1b: {  	[tilespmem:s3+$0xA0] =	vst v0  }
0x1c: {  	[tilespmem:s3+$0x90] =	vst v0  }
0x1d: {  	[tilespmem:s3+$0x80] =	vst v0  }
0x1e: {  	[tilespmem:s3+$0x60] =	vst v0  }
0x1f: {  	[tilespmem:s3+$0x70] =	vst v0;
	s3 =	smov.u32 s6  }
0x20: {  	[tilespmem:s4+$0x5000] =	vst v0  }
0x21: {  	[tilespmem:s6+$0xFFFFFF40] =	vst v0  }
0x22: {  	[tilespmem:s6+$0xFFFFFFB0] =	vst v0  }
0x23: {  	[tilespmem:s6+$0xFFFFFFA0] =	vst v0  }
0x24: {  	[tilespmem:s6+$0xFFFFFF90] =	vst v0  }
0x25: {  	[tilespmem:s6+$0xFFFFFF80] =	vst v0  }
0x26: {  	[tilespmem:s6+$0xFFFFFF70] =	vst v0  }
0x27: {  	[tilespmem:s6+$0xFFFFFF60] =	vst v0  }
.Ltmp0:
0x28: {  	s4 =	sand.u32 $0x3FF0, s7;
	[tilespmem:s6+$0xFFFFFF50] =	vst v0;
	(pc) =	sbr.rel @p0 .LBB2_1-.Ltmp0, $4  }
0x29: {  	[tilespmem:s4+$0x4F00] =	vst v0  }
0x2a: {  	[tilespmem:s6+$0x30] =	vst v0  }
0x2b: {  	[tilespmem:s6+$0x20] =	vst v0  }
0x2c: {  	[tilespmem:s6+$0x10] =	vst v0  }
0x2d: {  	[tilespmem:s3+$0x0] =	vst v0  }
0x2e: {  	[tilespmem:s3+$0xFFFFFFF0] =	vst v0  }
0x2f: {  	[tilespmem:s3+$0xFFFFFFD0] =	vst v0  }
0x30: {  	[tilespmem:s3+$0xFFFFFFE0] =	vst v0  }
0x31: {  	[tilespmem:s4+$0x4F80] =	vst v0  }
0x32: {  	[tilespmem:s3+$0x50] =	vst v0  }
0x33: {  	[tilespmem:s3+$0xB0] =	vst v0  }
0x34: {  	[tilespmem:s3+$0xA0] =	vst v0  }
0x35: {  	[tilespmem:s3+$0x90] =	vst v0  }
0x36: {  	[tilespmem:s3+$0x80] =	vst v0  }
0x37: {  	[tilespmem:s3+$0x60] =	vst v0  }
0x38: {  	[tilespmem:s3+$0x70] =	vst v0  }
0x39: {  	s30 =	simm.s32 $0x1;
	[tilespmem:s4+$0x5000] =	vst v0  }
0x3a: {  	_ =	swait.ge [sflag:s30], $0x4E20  }
0x3b: {  	[sflag:s30] =	ssyncset.done $0x0  }
0x3c: {  	s3 =	simm.s32 $0xC0;
	[sflag:s30] =	ssyncadd.s32 $0xFFFFB1E0  }
0x3d: {  	v2 =	vld [tilespmem:s3+$0xB0]  }
0x3e: {  	v3 =	vld [tilespmem:s3+$0x30]  }
0x3f: {  	v4 =	vld [tilespmem:s3+$0xA0]  }
0x40: {  	v5 =	vld [tilespmem:s3+$0x90]  }
0x41: {  	v6 =	vld [tilespmem:s3+$0x80]  }
0x42: {  	v7 =	vld [tilespmem:s3+$0x70]  }
0x43: {  	s31 =	simm.s32 $0x0;
	v8 =	vld [tilespmem:s3+$0x60]  }
0x44: {  	s4 =	sand.u32 $0x7FF0, s31;
	v9 =	vld [tilespmem:s3+$0x50]  }
0x45: {  	v10 =	vld [tilespmem:s4+$0x100]  }
0x46: {  	v1 =	vld [tilespmem:s4+$0x180]  }
0x47: {  	v11 =	vld [tilespmem:s3+$0x20]  }
0x48: {  	v12 =	vld [tilespmem:s3+$0x10]  }
0x49: {  	v13 =	vld [tilespmem:s3+$0x0]  }
0x4a: {  	v14 =	vld [tilespmem:s3+$0xFFFFFFF0]  }
0x4b: {  	v15 =	vld [tilespmem:s3+$0xFFFFFFE0]  }
0x4c: {  	v16 =	vld [tilespmem:s3+$0xFFFFFFD0]  }
0x4d: {  	v17 =	vld [tilespmem:s4+$0x80]  }
0x4e: {  	v18 =	vld [tilespmem:s3+$0xFFFFFF40]  }
0x4f: {  	v19 =	vld [tilespmem:s3+$0xFFFFFF50]  }
0x50: {  	v20 =	vld [tilespmem:s3+$0xFFFFFF60]  }
0x51: {  	v21 =	vld [tilespmem:s3+$0xFFFFFF70]  }
0x52: {  	v22 =	vld [tilespmem:s3+$0xFFFFFF80]  }
0x53: {  	v23 =	vld [tilespmem:s3+$0xFFFFFF90]  }
0x54: {  	v24 =	vld [tilespmem:s3+$0xFFFFFFA0]  }
0x55: {  	v0 =	vimm.f32 $1.000000000e+00;
	s4 =	simm.s32 $0x4E80;
	v25 =	vld [tilespmem:s3+$0xFFFFFFB0]  }
0x56: {  	[tilespmem:v18+s4+$0x0] =	vst.idx.add.f32.msk $0xffff, v0  }
0x57: {  	[tilespmem:v19+s4+$0x0] =	vst.idx.add.f32.msk $0xffff, v0  }
0x58: {  	[tilespmem:v20+s4+$0x0] =	vst.idx.add.f32.msk $0xffff, v0  }
0x59: {  	[tilespmem:v21+s4+$0x0] =	vst.idx.add.f32.msk $0xffff, v0  }
0x5a: {  	[tilespmem:v22+s4+$0x0] =	vst.idx.add.f32.msk $0xffff, v0  }
0x5b: {  	[tilespmem:v23+s4+$0x0] =	vst.idx.add.f32.msk $0xffff, v0  }
0x5c: {  	[tilespmem:v24+s4+$0x0] =	vst.idx.add.f32.msk $0xffff, v0  }
0x5d: {  	[tilespmem:v25+s4+$0x0] =	vst.idx.add.f32.msk $0xffff, v0  }
0x5e: {  	[tilespmem:v17+s4+$0x0] =	vst.idx.add.f32.msk $0xffff, v0  }
0x5f: {  	[tilespmem:v16+s4+$0x0] =	vst.idx.add.f32.msk $0xffff, v0  }
0x60: {  	[tilespmem:v15+s4+$0x0] =	vst.idx.add.f32.msk $0xffff, v0  }
0x61: {  	[tilespmem:v14+s4+$0x0] =	vst.idx.add.f32.msk $0xffff, v0  }
0x62: {  	[tilespmem:v13+s4+$0x0] =	vst.idx.add.f32.msk $0xffff, v0  }
0x63: {  	[tilespmem:v12+s4+$0x0] =	vst.idx.add.f32.msk $0xffff, v0  }
0x64: {  	[tilespmem:v11+s4+$0x0] =	vst.idx.add.f32.msk $0xffff, v0  }
0x65: {  	[tilespmem:v3+s4+$0x0] =	vst.idx.add.f32.msk $0xffff, v0  }
0x66: {  	[tilespmem:v10+s4+$0x0] =	vst.idx.add.f32.msk $0xffff, v0  }
0x67: {  	[tilespmem:v9+s4+$0x0] =	vst.idx.add.f32.msk $0xffff, v0  }
0x68: {  	[tilespmem:v8+s4+$0x0] =	vst.idx.add.f32.msk $0xffff, v0  }
0x69: {  	[tilespmem:v7+s4+$0x0] =	vst.idx.add.f32.msk $0xffff, v0  }
0x6a: {  	[tilespmem:v6+s4+$0x0] =	vst.idx.add.f32.msk $0xffff, v0  }
0x6b: {  	[tilespmem:v5+s4+$0x0] =	vst.idx.add.f32.msk $0xffff, v0  }
0x6c: {  	[tilespmem:v4+s4+$0x0] =	vst.idx.add.f32.msk $0xffff, v0  }
0x6d: {  	s5 =	simm.s32 $0x190;
	[tilespmem:v2+s4+$0x0] =	vst.idx.add.f32.msk $0xffff, v0  }
.LBB2_3:
0x6e: {  	p0 =	sne.s32 s5, $0x4C90  }
0x6f: {  	[tilespmem:v1+s4+$0x0] =	vst.idx.add.f32.msk $0xffff, v0;
	s3 =	sadd.s32 $0x190, s3;
	s6 =	smov.u32 s5;
	s5 =	sadd.s32 $0x190, s5  }
0x70: {  	v2 =	vld [tilespmem:s3+$0xB0]  }
0x71: {  	v3 =	vld [tilespmem:s3+$0x30]  }
0x72: {  	v4 =	vld [tilespmem:s3+$0xA0]  }
0x73: {  	v5 =	vld [tilespmem:s3+$0x90]  }
0x74: {  	v6 =	vld [tilespmem:s3+$0x80]  }
0x75: {  	v7 =	vld [tilespmem:s3+$0x70]  }
0x76: {  	v8 =	vld [tilespmem:s3+$0x60]  }
0x77: {  	s6 =	sand.u32 $0x7FF0, s6;
	v9 =	vld [tilespmem:s3+$0x50]  }
0x78: {  	v10 =	vld [tilespmem:s6+$0x100]  }
0x79: {  	v1 =	vld [tilespmem:s6+$0x180]  }
0x7a: {  	v11 =	vld [tilespmem:s3+$0x20]  }
0x7b: {  	v12 =	vld [tilespmem:s3+$0x10]  }
0x7c: {  	v13 =	vld [tilespmem:s3+$0x0]  }
0x7d: {  	v14 =	vld [tilespmem:s3+$0xFFFFFFF0]  }
0x7e: {  	v15 =	vld [tilespmem:s3+$0xFFFFFFE0]  }
0x7f: {  	v16 =	vld [tilespmem:s3+$0xFFFFFFD0]  }
0x80: {  	v17 =	vld [tilespmem:s6+$0x80]  }
0x81: {  	v18 =	vld [tilespmem:s3+$0xFFFFFF40]  }
0x82: {  	v19 =	vld [tilespmem:s3+$0xFFFFFF50]  }
0x83: {  	v20 =	vld [tilespmem:s3+$0xFFFFFF60]  }
0x84: {  	v21 =	vld [tilespmem:s3+$0xFFFFFF70]  }
0x85: {  	v22 =	vld [tilespmem:s3+$0xFFFFFF80]  }
0x86: {  	v23 =	vld [tilespmem:s3+$0xFFFFFF90]  }
0x87: {  	v24 =	vld [tilespmem:s3+$0xFFFFFFA0]  }
0x88: {  	v25 =	vld [tilespmem:s3+$0xFFFFFFB0]  }
0x89: {  	[tilespmem:v18+s4+$0x0] =	vst.idx.add.f32.msk $0xffff, v0  }
0x8a: {  	[tilespmem:v19+s4+$0x0] =	vst.idx.add.f32.msk $0xffff, v0  }
0x8b: {  	[tilespmem:v20+s4+$0x0] =	vst.idx.add.f32.msk $0xffff, v0  }
0x8c: {  	[tilespmem:v21+s4+$0x0] =	vst.idx.add.f32.msk $0xffff, v0  }
0x8d: {  	[tilespmem:v22+s4+$0x0] =	vst.idx.add.f32.msk $0xffff, v0  }
0x8e: {  	[tilespmem:v23+s4+$0x0] =	vst.idx.add.f32.msk $0xffff, v0  }
0x8f: {  	[tilespmem:v24+s4+$0x0] =	vst.idx.add.f32.msk $0xffff, v0  }
0x90: {  	[tilespmem:v25+s4+$0x0] =	vst.idx.add.f32.msk $0xffff, v0  }
0x91: {  	[tilespmem:v17+s4+$0x0] =	vst.idx.add.f32.msk $0xffff, v0  }
0x92: {  	[tilespmem:v16+s4+$0x0] =	vst.idx.add.f32.msk $0xffff, v0  }
0x93: {  	[tilespmem:v15+s4+$0x0] =	vst.idx.add.f32.msk $0xffff, v0  }
0x94: {  	[tilespmem:v14+s4+$0x0] =	vst.idx.add.f32.msk $0xffff, v0  }
0x95: {  	[tilespmem:v13+s4+$0x0] =	vst.idx.add.f32.msk $0xffff, v0  }
0x96: {  	[tilespmem:v12+s4+$0x0] =	vst.idx.add.f32.msk $0xffff, v0  }
0x97: {  	[tilespmem:v11+s4+$0x0] =	vst.idx.add.f32.msk $0xffff, v0  }
0x98: {  	[tilespmem:v3+s4+$0x0] =	vst.idx.add.f32.msk $0xffff, v0  }
0x99: {  	[tilespmem:v10+s4+$0x0] =	vst.idx.add.f32.msk $0xffff, v0  }
0x9a: {  	[tilespmem:v9+s4+$0x0] =	vst.idx.add.f32.msk $0xffff, v0  }
0x9b: {  	[tilespmem:v8+s4+$0x0] =	vst.idx.add.f32.msk $0xffff, v0  }
.Ltmp1:
0x9c: {  	[tilespmem:v7+s4+$0x0] =	vst.idx.add.f32.msk $0xffff, v0;
	(pc) =	sbr.rel @p0 .LBB2_3-.Ltmp1, $4  }
0x9d: {  	[tilespmem:v6+s4+$0x0] =	vst.idx.add.f32.msk $0xffff, v0  }
0x9e: {  	[tilespmem:v5+s4+$0x0] =	vst.idx.add.f32.msk $0xffff, v0  }
0x9f: {  	[tilespmem:v4+s4+$0x0] =	vst.idx.add.f32.msk $0xffff, v0  }
0xa0: {  	[tilespmem:v2+s4+$0x0] =	vst.idx.add.f32.msk $0xffff, v0  }
0xa1: {  	s3 =	sshrl.u32 s1, $0x3  }
0xa2: {  	s5 =	sshll.u32 s1, $0x7;
	s3 =	smul.u32 $0x13C00, s3  }
0xa3: {  	s5 =	sand.u32 $0x380, s5  }
0xa4: {  	s3 =	sor.u32 s5, s3  }
0xa5: {  	s28 =	simm.s32 $0x80;
	s29 =	simm.s32 $0x400;
	s3 =	sshrl.u32 s3, $0x3  }
0xa6: {  	[tilespmem:v1+s4+$0x0] =	vst.idx.add.f32.msk $0xffff, v0;
	s30 =	simm.s32 $0x4E80;
	s31 =	simm.s32 $0x2;
	s2 =	sadd.s32 s2, s3  }
0xa7: {  	[hbm4b:s2+s28] =	stream.strided.scatter [tilespmem:s30], [sflag:$0x2], $0x2780, s29, s28, $0x38;
	[tilespmem:$0x7600] =	vst v63  }
0xa8: {  	_ =	swait.ge [sflag:s31], $0x2780  }
0xa9: {  	[sflag:s31] =	ssyncset.done $0x0  }
0xaa: {  	[sflag:s31] =	ssyncadd.s32 $0xFFFFD880  }
0xab: {  	_ =	sfence.sel $0x180000  }
0xac: {  	[bflag:$0x0] =	sbarrier.arrive $0xFFFF  }
0xad: {  	p0 =	sne.s32 s1, $0x0;
	_ =	strace $0x90000047  }
0xae: {  	s0 =	sadd.s32 @!p0 $0x100000, s0;
	[bflag:$0x2] =	sbarrier.arrive $0xFFFF  }
0xaf: {  	[sflag:s0] =	ssyncadd.tile.s32 @!p0 $0x1;
	_ =	shalt  }
.Lfunc_end2:
_tile_overlayer_lowered:
.L_overlay_start_2:
0xb0: {  	(tag) =	ssettag $0x2  }
0xb1: {  	s0 =	rddreg [dreg:$0x0];
	s2 =	stileid.u32  }
0xb2: {  	s1 =	rddreg [dreg:$0x1];
	p0 =	sne.s32 s2, $0x0  }
0xb3: {  	s3 =	rddreg [dreg:$0x2];
	[bflag:$0x3] =	sbarrier.arrive $0xFFFF;
	s2 =	simm.s32 @!p0 $0x1C02  }
0xb4: {  	[timem:s3], [sflag:s2] =	dma.local @!p0 [hbm:s0], s1  }
0xb5: {  	s0 =	simm.s32 @!p0 $0x2  }
0xb6: {  	_ =	swait.ge @!p0 [sflag:s0], s1  }
0xb7: {  	s1 =	ssub.s32 @!p0 $0x0, s1;
	[sflag:s0] =	ssyncset.done @!p0 $0x0  }
0xb8: {  	[sflag:s0] =	ssyncadd.s32 @!p0 s1  }
0xb9: {  	[bflag:$0x3] =	sbarrier.arrive $0xFFFF  }
0xba: {  	_ =	shalt  }

</sc_bundles>
